<compile_context>
chip_gen: v7x
topology: tpu7x:2x2x1
jax: 0.10.2.dev20260603
libtpu: 0.0.44.dev20260713+nightly
codegen_flags: <defaults>
</compile_context>

<pallas_src>
import functools

import jax
import jax.numpy as jnp
from jax import lax
from jax.experimental import pallas as pl
from jax.experimental.pallas import tpu as pltpu
from jax.experimental.pallas import tpu_sc as plsc

_B = 4
_S = 4096
_D = 1024
_NC = 2
_NS = 16
_NW = _NC * _NS
_ROWS_PER_W = _S // _NW
_CH = 32
_NSLOT = 3
_NCHUNK = _ROWS_PER_W // _CH

_mesh = plsc.VectorSubcoreMesh(core_axis_name="c", subcore_axis_name="s")


@functools.partial(
    pl.kernel,
    mesh=_mesh,
    out_type=jax.ShapeDtypeStruct((_B, _S, _D), jnp.float32),
    scratch_types=[
        pltpu.VMEM((_NSLOT, _CH, _D), jnp.float32),
        pltpu.SemaphoreType.DMA((_NSLOT,)),
        pltpu.SemaphoreType.DMA((_NSLOT,)),
    ],
)
def _pe_ring(table_hbm, out_hbm, buf, load_sem, store_sem):
    wid = lax.axis_index("s") * _NC + lax.axis_index("c")
    base = wid * _ROWS_PER_W

    def load(i):
        return pltpu.async_copy(
            table_hbm.at[pl.ds(base + i * _CH, _CH)],
            buf.at[i % _NSLOT],
            load_sem.at[i % _NSLOT])

    def store(i, b):
        return pltpu.async_copy(
            buf.at[i % _NSLOT],
            out_hbm.at[b, pl.ds(base + i * _CH, _CH)],
            store_sem.at[i % _NSLOT])

    load_h = [None] * _NCHUNK
    store_h = [None] * _NCHUNK
    for j in range(min(_NSLOT, _NCHUNK)):
        load_h[j] = load(j)
    for i in range(_NCHUNK):
        if i > 0 and i - 1 + _NSLOT < _NCHUNK:
            for sh in store_h[i - 1]:
                sh.wait()
            load_h[i - 1 + _NSLOT] = load(i - 1 + _NSLOT)
        load_h[i].wait()
        store_h[i] = [store(i, b) for b in range(_B)]
    waited = set(range(0, max(0, _NCHUNK - _NSLOT)))
    for i in range(_NCHUNK):
        if i not in waited:
            for sh in store_h[i]:
                sh.wait()


def kernel(inputs, position_embeddings):
    del inputs
    return _pe_ring(position_embeddings)

# --- scband reference (transcript-rebuilt; emitter-appended) ---
"""Pipeline reference for scband-bertposition-embedding-83915071029942 (READ-ONLY COPY).

The authoritative reference and input builder live on the scoring server;
editing this copy changes nothing except your own understanding.
"""

import jax, jax.numpy as jnp
import numpy as np

MAX_POSITION = 8192
EMBEDDING_DIM = 1024
BATCH = 4
SEQ_LEN = 4096

def setup_inputs(seed: int = 0) -> dict:
    key = jax.random.key(seed)
    k1, k2 = jax.random.split(key)
    inputs = jax.random.normal(k1, (BATCH, SEQ_LEN, EMBEDDING_DIM), dtype=jnp.float32)
    # glorot_uniform-style init for the learned position embedding table
    limit = np.sqrt(6.0 / (MAX_POSITION + EMBEDDING_DIM))
    position_embeddings = jax.random.uniform(k2, (MAX_POSITION, EMBEDDING_DIM), dtype=jnp.float32, minval=-limit, maxval=limit)
    return {"inputs": inputs, "position_embeddings": position_embeddings}

def reference(inputs, position_embeddings):
    batch_size = inputs.shape[0]
    seq_length = inputs.shape[1]
    position_ids = jnp.arange(seq_length, dtype=jnp.int32)
    pe = jnp.take(position_embeddings, position_ids, axis=0)  # [S, D]
    pe = jnp.expand_dims(pe, axis=0)  # [1, S, D]
    pe = jnp.tile(pe, (batch_size, 1, 1))  # [B, S, D]
    return pe

if __name__ == "__main__":
    import jax
    _d = setup_inputs()
    print(jax.jit(kernel)(*tuple(_d.values())))

</pallas_src>

<mosaic_0001>
#map = affine_map<(d0, d1) -> (0, 0)>
#map1 = affine_map<(d0, d1) -> (0, 0, 0)>
module attributes {stable_mosaic.version = 14 : i64} {
  func.func @_pe_ring(%arg0: i32, %arg1: i32, %arg2: memref<8192x1024xf32, #tpu.memory_space<hbm>>, %arg3: memref<4x4096x1024xf32, #tpu.memory_space<hbm>>, %arg4: memref<3x32x1024xf32, #tpu.memory_space<vmem>>, %arg5: memref<3x!tpu.dma_semaphore, #tpu.memory_space<semaphore_mem>>, %arg6: memref<3x!tpu.dma_semaphore, #tpu.memory_space<semaphore_mem>>) attributes {dimension_semantics = [#tpu.dimension_semantics<core_parallel>, #tpu.dimension_semantics<subcore_parallel>], iteration_bounds = array<i64: 2, 16>, scalar_prefetch = 0 : i64, scratch_operands = 3 : i64, tpu.core_type = #tpu.core_type<sc_vector_subcore>, window_params = [{transform_indices = #map}, {transform_indices = #map1}]} {
    %mul3A = arith.constant 2 : i32
    %mul3A_0 = arith.muli %arg1, %mul3A : i32
    %add3A = arith.addi %mul3A_0, %arg0 : i32
    %mul3A_1 = arith.constant 128 : i32
    %mul3A_2 = arith.muli %add3A, %mul3A_1 : i32
    %add3A_3 = arith.constant 0 : i32
    %add3A_4 = arith.addi %mul3A_2, %add3A_3 : i32
    %dma_start3A = arith.constant 0 : i32
    %dma_start3A_5 = arith.constant 0 : i32
    %dma_start3A_6 = arith.constant 0 : i32
    %dma_start3A_7 = arith.constant 0 : i32
    %dma_start3A_8 = tpu.memref_slice %arg4[%dma_start3A, %dma_start3A_6, %dma_start3A_7] : memref<3x32x1024xf32, #tpu.memory_space<vmem>> -> memref<1x32x1024xf32, #tpu.memory_space<vmem>>
    %dma_start3A_9 = tpu.memref_squeeze %dma_start3A_8 : memref<1x32x1024xf32, #tpu.memory_space<vmem>> -> memref<32x1024xf32, #tpu.memory_space<vmem>>
    %dma_start3A_10 = arith.constant 0 : i32
    %dma_start3A_11 = tpu.memref_slice %arg2[%add3A_4, %dma_start3A_10] : memref<8192x1024xf32, #tpu.memory_space<hbm>> -> memref<32x1024xf32, #tpu.memory_space<hbm>>
    %dma_start3A_12 = tpu.memref_slice %arg5[%dma_start3A_5] : memref<3x!tpu.dma_semaphore, #tpu.memory_space<semaphore_mem>> -> memref<1x!tpu.dma_semaphore, #tpu.memory_space<semaphore_mem>>
    %dma_start3A_13 = tpu.memref_squeeze %dma_start3A_12 : memref<1x!tpu.dma_semaphore, #tpu.memory_space<semaphore_mem>> -> memref<!tpu.dma_semaphore, #tpu.memory_space<semaphore_mem>>
    %dma_start3A_14 = arith.constant 0 : i32
    %dma_start3A_15 = arith.constant 0 : i32
    %dma_start3A_16 = tpu.memref_slice %arg4[%dma_start3A, %dma_start3A_14, %dma_start3A_15] : memref<3x32x1024xf32, #tpu.memory_space<vmem>> -> memref<1x32x1024xf32, #tpu.memory_space<vmem>>
    %dma_start3A_17 = tpu.memref_squeeze %dma_start3A_16 : memref<1x32x1024xf32, #tpu.memory_space<vmem>> -> memref<32x1024xf32, #tpu.memory_space<vmem>>
    %dma_start3A_18 = arith.constant 0 : i32
    %dma_start3A_19 = tpu.memref_slice %arg2[%add3A_4, %dma_start3A_18] : memref<8192x1024xf32, #tpu.memory_space<hbm>> -> memref<32x1024xf32, #tpu.memory_space<hbm>>
    tpu.enqueue_dma source(%dma_start3A_19 : memref<32x1024xf32, #tpu.memory_space<hbm>>) target(%dma_start3A_17 : memref<32x1024xf32, #tpu.memory_space<vmem>>) target_semaphore(%dma_start3A_13 : memref<!tpu.dma_semaphore, #tpu.memory_space<semaphore_mem>>)
    %add3A_20 = arith.constant 32 : i32
    %add3A_21 = arith.addi %mul3A_2, %add3A_20 : i32
    %dma_start3A_22 = arith.constant 1 : i32
    %dma_start3A_23 = arith.constant 1 : i32
    %dma_start3A_24 = arith.constant 0 : i32
    %dma_start3A_25 = arith.constant 0 : i32
    %dma_start3A_26 = tpu.memref_slice %arg4[%dma_start3A_22, %dma_start3A_24, %dma_start3A_25] : memref<3x32x1024xf32, #tpu.memory_space<vmem>> -> memref<1x32x1024xf32, #tpu.memory_space<vmem>>
    %dma_start3A_27 = tpu.memref_squeeze %dma_start3A_26 : memref<1x32x1024xf32, #tpu.memory_space<vmem>> -> memref<32x1024xf32, #tpu.memory_space<vmem>>
    %dma_start3A_28 = arith.constant 0 : i32
    %dma_start3A_29 = tpu.memref_slice %arg2[%add3A_21, %dma_start3A_28] : memref<8192x1024xf32, #tpu.memory_space<hbm>> -> memref<32x1024xf32, #tpu.memory_space<hbm>>
    %dma_start3A_30 = tpu.memref_slice %arg5[%dma_start3A_23] : memref<3x!tpu.dma_semaphore, #tpu.memory_space<semaphore_mem>> -> memref<1x!tpu.dma_semaphore, #tpu.memory_space<semaphore_mem>>
    %dma_start3A_31 = tpu.memref_squeeze %dma_start3A_30 : memref<1x!tpu.dma_semaphore, #tpu.memory_space<semaphore_mem>> -> memref<!tpu.dma_semaphore, #tpu.memory_space<semaphore_mem>>
    %dma_start3A_32 = arith.constant 0 : i32
    %dma_start3A_33 = arith.constant 0 : i32
    %dma_start3A_34 = tpu.memref_slice %arg4[%dma_start3A_22, %dma_start3A_32, %dma_start3A_33] : memref<3x32x1024xf32, #tpu.memory_space<vmem>> -> memref<1x32x1024xf32, #tpu.memory_space<vmem>>
    %dma_start3A_35 = tpu.memref_squeeze %dma_start3A_34 : memref<1x32x1024xf32, #tpu.memory_space<vmem>> -> memref<32x1024xf32, #tpu.memory_space<vmem>>
    %dma_start3A_36 = arith.constant 0 : i32
    %dma_start3A_37 = tpu.memref_slice %arg2[%add3A_21, %dma_start3A_36] : memref<8192x1024xf32, #tpu.memory_space<hbm>> -> memref<32x1024xf32, #tpu.memory_space<hbm>>
    tpu.enqueue_dma source(%dma_start3A_37 : memref<32x1024xf32, #tpu.memory_space<hbm>>) target(%dma_start3A_35 : memref<32x1024xf32, #tpu.memory_space<vmem>>) target_semaphore(%dma_start3A_31 : memref<!tpu.dma_semaphore, #tpu.memory_space<semaphore_mem>>)
    %add3A_38 = arith.constant 64 : i32
    %add3A_39 = arith.addi %mul3A_2, %add3A_38 : i32
    %dma_start3A_40 = arith.constant 2 : i32
    %dma_start3A_41 = arith.constant 2 : i32
    %dma_start3A_42 = arith.constant 0 : i32
    %dma_start3A_43 = arith.constant 0 : i32
    %dma_start3A_44 = tpu.memref_slice %arg4[%dma_start3A_40, %dma_start3A_42, %dma_start3A_43] : memref<3x32x1024xf32, #tpu.memory_space<vmem>> -> memref<1x32x1024xf32, #tpu.memory_space<vmem>>
    %dma_start3A_45 = tpu.memref_squeeze %dma_start3A_44 : memref<1x32x1024xf32, #tpu.memory_space<vmem>> -> memref<32x1024xf32, #tpu.memory_space<vmem>>
    %dma_start3A_46 = arith.constant 0 : i32
    %dma_start3A_47 = tpu.memref_slice %arg2[%add3A_39, %dma_start3A_46] : memref<8192x1024xf32, #tpu.memory_space<hbm>> -> memref<32x1024xf32, #tpu.memory_space<hbm>>
    %dma_start3A_48 = tpu.memref_slice %arg5[%dma_start3A_41] : memref<3x!tpu.dma_semaphore, #tpu.memory_space<semaphore_mem>> -> memref<1x!tpu.dma_semaphore, #tpu.memory_space<semaphore_mem>>
    %dma_start3A_49 = tpu.memref_squeeze %dma_start3A_48 : memref<1x!tpu.dma_semaphore, #tpu.memory_space<semaphore_mem>> -> memref<!tpu.dma_semaphore, #tpu.memory_space<semaphore_mem>>
    %dma_start3A_50 = arith.constant 0 : i32
    %dma_start3A_51 = arith.constant 0 : i32
    %dma_start3A_52 = tpu.memref_slice %arg4[%dma_start3A_40, %dma_start3A_50, %dma_start3A_51] : memref<3x32x1024xf32, #tpu.memory_space<vmem>> -> memref<1x32x1024xf32, #tpu.memory_space<vmem>>
    %dma_start3A_53 = tpu.memref_squeeze %dma_start3A_52 : memref<1x32x1024xf32, #tpu.memory_space<vmem>> -> memref<32x1024xf32, #tpu.memory_space<vmem>>
    %dma_start3A_54 = arith.constant 0 : i32
    %dma_start3A_55 = tpu.memref_slice %arg2[%add3A_39, %dma_start3A_54] : memref<8192x1024xf32, #tpu.memory_space<hbm>> -> memref<32x1024xf32, #tpu.memory_space<hbm>>
    tpu.enqueue_dma source(%dma_start3A_55 : memref<32x1024xf32, #tpu.memory_space<hbm>>) target(%dma_start3A_53 : memref<32x1024xf32, #tpu.memory_space<vmem>>) target_semaphore(%dma_start3A_49 : memref<!tpu.dma_semaphore, #tpu.memory_space<semaphore_mem>>)
    %dma_wait3A = arith.constant 0 : i32
    %dma_wait3A_56 = arith.constant 0 : i32
    %dma_wait3A_57 = arith.constant 0 : i32
    %dma_wait3A_58 = arith.constant 0 : i32
    %dma_wait3A_59 = tpu.memref_slice %arg4[%dma_wait3A, %dma_wait3A_57, %dma_wait3A_58] : memref<3x32x1024xf32, #tpu.memory_space<vmem>> -> memref<1x32x1024xf32, #tpu.memory_space<vmem>>
    %dma_wait3A_60 = tpu.memref_squeeze %dma_wait3A_59 : memref<1x32x1024xf32, #tpu.memory_space<vmem>> -> memref<32x1024xf32, #tpu.memory_space<vmem>>
    %dma_wait3A_61 = arith.constant 0 : i32
    %dma_wait3A_62 = tpu.memref_slice %arg2[%add3A_4, %dma_wait3A_61] : memref<8192x1024xf32, #tpu.memory_space<hbm>> -> memref<32x1024xf32, #tpu.memory_space<hbm>>
    %dma_wait3A_63 = tpu.memref_slice %arg5[%dma_wait3A_56] : memref<3x!tpu.dma_semaphore, #tpu.memory_space<semaphore_mem>> -> memref<1x!tpu.dma_semaphore, #tpu.memory_space<semaphore_mem>>
    %dma_wait3A_64 = tpu.memref_squeeze %dma_wait3A_63 : memref<1x!tpu.dma_semaphore, #tpu.memory_space<semaphore_mem>> -> memref<!tpu.dma_semaphore, #tpu.memory_space<semaphore_mem>>
    %dma_wait3A_65 = arith.constant 0 : i32
    %dma_wait3A_66 = arith.constant 0 : i32
    %dma_wait3A_67 = tpu.memref_slice %arg4[%dma_wait3A, %dma_wait3A_65, %dma_wait3A_66] : memref<3x32x1024xf32, #tpu.memory_space<vmem>> -> memref<1x32x1024xf32, #tpu.memory_space<vmem>>
    %dma_wait3A_68 = tpu.memref_squeeze %dma_wait3A_67 : memref<1x32x1024xf32, #tpu.memory_space<vmem>> -> memref<32x1024xf32, #tpu.memory_space<vmem>>
    %dma_wait3A_69 = arith.constant 0 : i32
    %dma_wait3A_70 = tpu.memref_slice %arg2[%add3A_4, %dma_wait3A_69] : memref<8192x1024xf32, #tpu.memory_space<hbm>> -> memref<32x1024xf32, #tpu.memory_space<hbm>>
    tpu.wait_dma2 semaphore(%dma_wait3A_64 : memref<!tpu.dma_semaphore, #tpu.memory_space<semaphore_mem>>) src(%dma_wait3A_70 : memref<32x1024xf32, #tpu.memory_space<hbm>>) dst(%dma_wait3A_68 : memref<32x1024xf32, #tpu.memory_space<vmem>>)
    %add3A_71 = arith.constant 0 : i32
    %add3A_72 = arith.addi %mul3A_2, %add3A_71 : i32
    %dma_start3A_73 = arith.constant 0 : i32
    %dma_start3A_74 = arith.constant 0 : i32
    %dma_start3A_75 = arith.constant 0 : i32
    %dma_start3A_76 = arith.constant 0 : i32
    %dma_start3A_77 = arith.constant 0 : i32
    %dma_start3A_78 = tpu.memref_slice %arg4[%dma_start3A_73, %dma_start3A_76, %dma_start3A_77] : memref<3x32x1024xf32, #tpu.memory_space<vmem>> -> memref<1x32x1024xf32, #tpu.memory_space<vmem>>
    %dma_start3A_79 = tpu.memref_squeeze %dma_start3A_78 : memref<1x32x1024xf32, #tpu.memory_space<vmem>> -> memref<32x1024xf32, #tpu.memory_space<vmem>>
    %dma_start3A_80 = arith.constant 0 : i32
    %dma_start3A_81 = tpu.memref_slice %arg3[%dma_start3A_74, %add3A_72, %dma_start3A_80] : memref<4x4096x1024xf32, #tpu.memory_space<hbm>> -> memref<1x32x1024xf32, #tpu.memory_space<hbm>>
    %dma_start3A_82 = tpu.memref_squeeze %dma_start3A_81 : memref<1x32x1024xf32, #tpu.memory_space<hbm>> -> memref<32x1024xf32, #tpu.memory_space<hbm>>
    %dma_start3A_83 = tpu.memref_slice %arg6[%dma_start3A_75] : memref<3x!tpu.dma_semaphore, #tpu.memory_space<semaphore_mem>> -> memref<1x!tpu.dma_semaphore, #tpu.memory_space<semaphore_mem>>
    %dma_start3A_84 = tpu.memref_squeeze %dma_start3A_83 : memref<1x!tpu.dma_semaphore, #tpu.memory_space<semaphore_mem>> -> memref<!tpu.dma_semaphore, #tpu.memory_space<semaphore_mem>>
    %dma_start3A_85 = arith.constant 0 : i32
    %dma_start3A_86 = tpu.memref_slice %arg3[%dma_start3A_74, %add3A_72, %dma_start3A_85] : memref<4x4096x1024xf32, #tpu.memory_space<hbm>> -> memref<1x32x1024xf32, #tpu.memory_space<hbm>>
    %dma_start3A_87 = tpu.memref_squeeze %dma_start3A_86 : memref<1x32x1024xf32, #tpu.memory_space<hbm>> -> memref<32x1024xf32, #tpu.memory_space<hbm>>
    %dma_start3A_88 = arith.constant 0 : i32
    %dma_start3A_89 = arith.constant 0 : i32
    %dma_start3A_90 = tpu.memref_slice %arg4[%dma_start3A_73, %dma_start3A_88, %dma_start3A_89] : memref<3x32x1024xf32, #tpu.memory_space<vmem>> -> memref<1x32x1024xf32, #tpu.memory_space<vmem>>
    %dma_start3A_91 = tpu.memref_squeeze %dma_start3A_90 : memref<1x32x1024xf32, #tpu.memory_space<vmem>> -> memref<32x1024xf32, #tpu.memory_space<vmem>>
    tpu.enqueue_dma source(%dma_start3A_91 : memref<32x1024xf32, #tpu.memory_space<vmem>>) target(%dma_start3A_87 : memref<32x1024xf32, #tpu.memory_space<hbm>>) target_semaphore(%dma_start3A_84 : memref<!tpu.dma_semaphore, #tpu.memory_space<semaphore_mem>>)
    %add3A_92 = arith.constant 0 : i32
    %add3A_93 = arith.addi %mul3A_2, %add3A_92 : i32
    %dma_start3A_94 = arith.constant 0 : i32
    %dma_start3A_95 = arith.constant 1 : i32
    %dma_start3A_96 = arith.constant 0 : i32
    %dma_start3A_97 = arith.constant 0 : i32
    %dma_start3A_98 = arith.constant 0 : i32
    %dma_start3A_99 = tpu.memref_slice %arg4[%dma_start3A_94, %dma_start3A_97, %dma_start3A_98] : memref<3x32x1024xf32, #tpu.memory_space<vmem>> -> memref<1x32x1024xf32, #tpu.memory_space<vmem>>
    %dma_start3A_100 = tpu.memref_squeeze %dma_start3A_99 : memref<1x32x1024xf32, #tpu.memory_space<vmem>> -> memref<32x1024xf32, #tpu.memory_space<vmem>>
    %dma_start3A_101 = arith.constant 0 : i32
    %dma_start3A_102 = tpu.memref_slice %arg3[%dma_start3A_95, %add3A_93, %dma_start3A_101] : memref<4x4096x1024xf32, #tpu.memory_space<hbm>> -> memref<1x32x1024xf32, #tpu.memory_space<hbm>>
    %dma_start3A_103 = tpu.memref_squeeze %dma_start3A_102 : memref<1x32x1024xf32, #tpu.memory_space<hbm>> -> memref<32x1024xf32, #tpu.memory_space<hbm>>
    %dma_start3A_104 = tpu.memref_slice %arg6[%dma_start3A_96] : memref<3x!tpu.dma_semaphore, #tpu.memory_space<semaphore_mem>> -> memref<1x!tpu.dma_semaphore, #tpu.memory_space<semaphore_mem>>
    %dma_start3A_105 = tpu.memref_squeeze %dma_start3A_104 : memref<1x!tpu.dma_semaphore, #tpu.memory_space<semaphore_mem>> -> memref<!tpu.dma_semaphore, #tpu.memory_space<semaphore_mem>>
    %dma_start3A_106 = arith.constant 0 : i32
    %dma_start3A_107 = tpu.memref_slice %arg3[%dma_start3A_95, %add3A_93, %dma_start3A_106] : memref<4x4096x1024xf32, #tpu.memory_space<hbm>> -> memref<1x32x1024xf32, #tpu.memory_space<hbm>>
    %dma_start3A_108 = tpu.memref_squeeze %dma_start3A_107 : memref<1x32x1024xf32, #tpu.memory_space<hbm>> -> memref<32x1024xf32, #tpu.memory_space<hbm>>
    %dma_start3A_109 = arith.constant 0 : i32
    %dma_start3A_110 = arith.constant 0 : i32
    %dma_start3A_111 = tpu.memref_slice %arg4[%dma_start3A_94, %dma_start3A_109, %dma_start3A_110] : memref<3x32x1024xf32, #tpu.memory_space<vmem>> -> memref<1x32x1024xf32, #tpu.memory_space<vmem>>
    %dma_start3A_112 = tpu.memref_squeeze %dma_start3A_111 : memref<1x32x1024xf32, #tpu.memory_space<vmem>> -> memref<32x1024xf32, #tpu.memory_space<vmem>>
    tpu.enqueue_dma source(%dma_start3A_112 : memref<32x1024xf32, #tpu.memory_space<vmem>>) target(%dma_start3A_108 : memref<32x1024xf32, #tpu.memory_space<hbm>>) target_semaphore(%dma_start3A_105 : memref<!tpu.dma_semaphore, #tpu.memory_space<semaphore_mem>>)
    %add3A_113 = arith.constant 0 : i32
    %add3A_114 = arith.addi %mul3A_2, %add3A_113 : i32
    %dma_start3A_115 = arith.constant 0 : i32
    %dma_start3A_116 = arith.constant 2 : i32
    %dma_start3A_117 = arith.constant 0 : i32
    %dma_start3A_118 = arith.constant 0 : i32
    %dma_start3A_119 = arith.constant 0 : i32
    %dma_start3A_120 = tpu.memref_slice %arg4[%dma_start3A_115, %dma_start3A_118, %dma_start3A_119] : memref<3x32x1024xf32, #tpu.memory_space<vmem>> -> memref<1x32x1024xf32, #tpu.memory_space<vmem>>
    %dma_start3A_121 = tpu.memref_squeeze %dma_start3A_120 : memref<1x32x1024xf32, #tpu.memory_space<vmem>> -> memref<32x1024xf32, #tpu.memory_space<vmem>>
    %dma_start3A_122 = arith.constant 0 : i32
    %dma_start3A_123 = tpu.memref_slice %arg3[%dma_start3A_116, %add3A_114, %dma_start3A_122] : memref<4x4096x1024xf32, #tpu.memory_space<hbm>> -> memref<1x32x1024xf32, #tpu.memory_space<hbm>>
    %dma_start3A_124 = tpu.memref_squeeze %dma_start3A_123 : memref<1x32x1024xf32, #tpu.memory_space<hbm>> -> memref<32x1024xf32, #tpu.memory_space<hbm>>
    %dma_start3A_125 = tpu.memref_slice %arg6[%dma_start3A_117] : memref<3x!tpu.dma_semaphore, #tpu.memory_space<semaphore_mem>> -> memref<1x!tpu.dma_semaphore, #tpu.memory_space<semaphore_mem>>
    %dma_start3A_126 = tpu.memref_squeeze %dma_start3A_125 : memref<1x!tpu.dma_semaphore, #tpu.memory_space<semaphore_mem>> -> memref<!tpu.dma_semaphore, #tpu.memory_space<semaphore_mem>>
    %dma_start3A_127 = arith.constant 0 : i32
    %dma_start3A_128 = tpu.memref_slice %arg3[%dma_start3A_116, %add3A_114, %dma_start3A_127] : memref<4x4096x1024xf32, #tpu.memory_space<hbm>> -> memref<1x32x1024xf32, #tpu.memory_space<hbm>>
    %dma_start3A_129 = tpu.memref_squeeze %dma_start3A_128 : memref<1x32x1024xf32, #tpu.memory_space<hbm>> -> memref<32x1024xf32, #tpu.memory_space<hbm>>
    %dma_start3A_130 = arith.constant 0 : i32
    %dma_start3A_131 = arith.constant 0 : i32
    %dma_start3A_132 = tpu.memref_slice %arg4[%dma_start3A_115, %dma_start3A_130, %dma_start3A_131] : memref<3x32x1024xf32, #tpu.memory_space<vmem>> -> memref<1x32x1024xf32, #tpu.memory_space<vmem>>
    %dma_start3A_133 = tpu.memref_squeeze %dma_start3A_132 : memref<1x32x1024xf32, #tpu.memory_space<vmem>> -> memref<32x1024xf32, #tpu.memory_space<vmem>>
    tpu.enqueue_dma source(%dma_start3A_133 : memref<32x1024xf32, #tpu.memory_space<vmem>>) target(%dma_start3A_129 : memref<32x1024xf32, #tpu.memory_space<hbm>>) target_semaphore(%dma_start3A_126 : memref<!tpu.dma_semaphore, #tpu.memory_space<semaphore_mem>>)
    %add3A_134 = arith.constant 0 : i32
    %add3A_135 = arith.addi %mul3A_2, %add3A_134 : i32
    %dma_start3A_136 = arith.constant 0 : i32
    %dma_start3A_137 = arith.constant 3 : i32
    %dma_start3A_138 = arith.constant 0 : i32
    %dma_start3A_139 = arith.constant 0 : i32
    %dma_start3A_140 = arith.constant 0 : i32
    %dma_start3A_141 = tpu.memref_slice %arg4[%dma_start3A_136, %dma_start3A_139, %dma_start3A_140] : memref<3x32x1024xf32, #tpu.memory_space<vmem>> -> memref<1x32x1024xf32, #tpu.memory_space<vmem>>
    %dma_start3A_142 = tpu.memref_squeeze %dma_start3A_141 : memref<1x32x1024xf32, #tpu.memory_space<vmem>> -> memref<32x1024xf32, #tpu.memory_space<vmem>>
    %dma_start3A_143 = arith.constant 0 : i32
    %dma_start3A_144 = tpu.memref_slice %arg3[%dma_start3A_137, %add3A_135, %dma_start3A_143] : memref<4x4096x1024xf32, #tpu.memory_space<hbm>> -> memref<1x32x1024xf32, #tpu.memory_space<hbm>>
    %dma_start3A_145 = tpu.memref_squeeze %dma_start3A_144 : memref<1x32x1024xf32, #tpu.memory_space<hbm>> -> memref<32x1024xf32, #tpu.memory_space<hbm>>
    %dma_start3A_146 = tpu.memref_slice %arg6[%dma_start3A_138] : memref<3x!tpu.dma_semaphore, #tpu.memory_space<semaphore_mem>> -> memref<1x!tpu.dma_semaphore, #tpu.memory_space<semaphore_mem>>
    %dma_start3A_147 = tpu.memref_squeeze %dma_start3A_146 : memref<1x!tpu.dma_semaphore, #tpu.memory_space<semaphore_mem>> -> memref<!tpu.dma_semaphore, #tpu.memory_space<semaphore_mem>>
    %dma_start3A_148 = arith.constant 0 : i32
    %dma_start3A_149 = tpu.memref_slice %arg3[%dma_start3A_137, %add3A_135, %dma_start3A_148] : memref<4x4096x1024xf32, #tpu.memory_space<hbm>> -> memref<1x32x1024xf32, #tpu.memory_space<hbm>>
    %dma_start3A_150 = tpu.memref_squeeze %dma_start3A_149 : memref<1x32x1024xf32, #tpu.memory_space<hbm>> -> memref<32x1024xf32, #tpu.memory_space<hbm>>
    %dma_start3A_151 = arith.constant 0 : i32
    %dma_start3A_152 = arith.constant 0 : i32
    %dma_start3A_153 = tpu.memref_slice %arg4[%dma_start3A_136, %dma_start3A_151, %dma_start3A_152] : memref<3x32x1024xf32, #tpu.memory_space<vmem>> -> memref<1x32x1024xf32, #tpu.memory_space<vmem>>
    %dma_start3A_154 = tpu.memref_squeeze %dma_start3A_153 : memref<1x32x1024xf32, #tpu.memory_space<vmem>> -> memref<32x1024xf32, #tpu.memory_space<vmem>>
    tpu.enqueue_dma source(%dma_start3A_154 : memref<32x1024xf32, #tpu.memory_space<vmem>>) target(%dma_start3A_150 : memref<32x1024xf32, #tpu.memory_space<hbm>>) target_semaphore(%dma_start3A_147 : memref<!tpu.dma_semaphore, #tpu.memory_space<semaphore_mem>>)
    %dma_wait3A_155 = arith.constant 0 : i32
    %dma_wait3A_156 = arith.constant 0 : i32
    %dma_wait3A_157 = arith.constant 0 : i32
    %dma_wait3A_158 = arith.constant 0 : i32
    %dma_wait3A_159 = arith.constant 0 : i32
    %dma_wait3A_160 = tpu.memref_slice %arg4[%dma_wait3A_155, %dma_wait3A_158, %dma_wait3A_159] : memref<3x32x1024xf32, #tpu.memory_space<vmem>> -> memref<1x32x1024xf32, #tpu.memory_space<vmem>>
    %dma_wait3A_161 = tpu.memref_squeeze %dma_wait3A_160 : memref<1x32x1024xf32, #tpu.memory_space<vmem>> -> memref<32x1024xf32, #tpu.memory_space<vmem>>
    %dma_wait3A_162 = arith.constant 0 : i32
    %dma_wait3A_163 = tpu.memref_slice %arg3[%dma_wait3A_156, %add3A_72, %dma_wait3A_162] : memref<4x4096x1024xf32, #tpu.memory_space<hbm>> -> memref<1x32x1024xf32, #tpu.memory_space<hbm>>
    %dma_wait3A_164 = tpu.memref_squeeze %dma_wait3A_163 : memref<1x32x1024xf32, #tpu.memory_space<hbm>> -> memref<32x1024xf32, #tpu.memory_space<hbm>>
    %dma_wait3A_165 = tpu.memref_slice %arg6[%dma_wait3A_157] : memref<3x!tpu.dma_semaphore, #tpu.memory_space<semaphore_mem>> -> memref<1x!tpu.dma_semaphore, #tpu.memory_space<semaphore_mem>>
    %dma_wait3A_166 = tpu.memref_squeeze %dma_wait3A_165 : memref<1x!tpu.dma_semaphore, #tpu.memory_space<semaphore_mem>> -> memref<!tpu.dma_semaphore, #tpu.memory_space<semaphore_mem>>
    %dma_wait3A_167 = arith.constant 0 : i32
    %dma_wait3A_168 = tpu.memref_slice %arg3[%dma_wait3A_156, %add3A_72, %dma_wait3A_167] : memref<4x4096x1024xf32, #tpu.memory_space<hbm>> -> memref<1x32x1024xf32, #tpu.memory_space<hbm>>
    %dma_wait3A_169 = tpu.memref_squeeze %dma_wait3A_168 : memref<1x32x1024xf32, #tpu.memory_space<hbm>> -> memref<32x1024xf32, #tpu.memory_space<hbm>>
    %dma_wait3A_170 = arith.constant 0 : i32
    %dma_wait3A_171 = arith.constant 0 : i32
    %dma_wait3A_172 = tpu.memref_slice %arg4[%dma_wait3A_155, %dma_wait3A_170, %dma_wait3A_171] : memref<3x32x1024xf32, #tpu.memory_space<vmem>> -> memref<1x32x1024xf32, #tpu.memory_space<vmem>>
    %dma_wait3A_173 = tpu.memref_squeeze %dma_wait3A_172 : memref<1x32x1024xf32, #tpu.memory_space<vmem>> -> memref<32x1024xf32, #tpu.memory_space<vmem>>
    tpu.wait_dma2 semaphore(%dma_wait3A_166 : memref<!tpu.dma_semaphore, #tpu.memory_space<semaphore_mem>>) src(%dma_wait3A_173 : memref<32x1024xf32, #tpu.memory_space<vmem>>) dst(%dma_wait3A_169 : memref<32x1024xf32, #tpu.memory_space<hbm>>)
    %dma_wait3A_174 = arith.constant 0 : i32
    %dma_wait3A_175 = arith.constant 1 : i32
    %dma_wait3A_176 = arith.constant 0 : i32
    %dma_wait3A_177 = arith.constant 0 : i32
    %dma_wait3A_178 = arith.constant 0 : i32
    %dma_wait3A_179 = tpu.memref_slice %arg4[%dma_wait3A_174, %dma_wait3A_177, %dma_wait3A_178] : memref<3x32x1024xf32, #tpu.memory_space<vmem>> -> memref<1x32x1024xf32, #tpu.memory_space<vmem>>
    %dma_wait3A_180 = tpu.memref_squeeze %dma_wait3A_179 : memref<1x32x1024xf32, #tpu.memory_space<vmem>> -> memref<32x1024xf32, #tpu.memory_space<vmem>>
    %dma_wait3A_181 = arith.constant 0 : i32
    %dma_wait3A_182 = tpu.memref_slice %arg3[%dma_wait3A_175, %add3A_93, %dma_wait3A_181] : memref<4x4096x1024xf32, #tpu.memory_space<hbm>> -> memref<1x32x1024xf32, #tpu.memory_space<hbm>>
    %dma_wait3A_183 = tpu.memref_squeeze %dma_wait3A_182 : memref<1x32x1024xf32, #tpu.memory_space<hbm>> -> memref<32x1024xf32, #tpu.memory_space<hbm>>
    %dma_wait3A_184 = tpu.memref_slice %arg6[%dma_wait3A_176] : memref<3x!tpu.dma_semaphore, #tpu.memory_space<semaphore_mem>> -> memref<1x!tpu.dma_semaphore, #tpu.memory_space<semaphore_mem>>
    %dma_wait3A_185 = tpu.memref_squeeze %dma_wait3A_184 : memref<1x!tpu.dma_semaphore, #tpu.memory_space<semaphore_mem>> -> memref<!tpu.dma_semaphore, #tpu.memory_space<semaphore_mem>>
    %dma_wait3A_186 = arith.constant 0 : i32
    %dma_wait3A_187 = tpu.memref_slice %arg3[%dma_wait3A_175, %add3A_93, %dma_wait3A_186] : memref<4x4096x1024xf32, #tpu.memory_space<hbm>> -> memref<1x32x1024xf32, #tpu.memory_space<hbm>>
    %dma_wait3A_188 = tpu.memref_squeeze %dma_wait3A_187 : memref<1x32x1024xf32, #tpu.memory_space<hbm>> -> memref<32x1024xf32, #tpu.memory_space<hbm>>
    %dma_wait3A_189 = arith.constant 0 : i32
    %dma_wait3A_190 = arith.constant 0 : i32
    %dma_wait3A_191 = tpu.memref_slice %arg4[%dma_wait3A_174, %dma_wait3A_189, %dma_wait3A_190] : memref<3x32x1024xf32, #tpu.memory_space<vmem>> -> memref<1x32x1024xf32, #tpu.memory_space<vmem>>
    %dma_wait3A_192 = tpu.memref_squeeze %dma_wait3A_191 : memref<1x32x1024xf32, #tpu.memory_space<vmem>> -> memref<32x1024xf32, #tpu.memory_space<vmem>>
    tpu.wait_dma2 semaphore(%dma_wait3A_185 : memref<!tpu.dma_semaphore, #tpu.memory_space<semaphore_mem>>) src(%dma_wait3A_192 : memref<32x1024xf32, #tpu.memory_space<vmem>>) dst(%dma_wait3A_188 : memref<32x1024xf32, #tpu.memory_space<hbm>>)
    %dma_wait3A_193 = arith.constant 0 : i32
    %dma_wait3A_194 = arith.constant 2 : i32
    %dma_wait3A_195 = arith.constant 0 : i32
    %dma_wait3A_196 = arith.constant 0 : i32
    %dma_wait3A_197 = arith.constant 0 : i32
    %dma_wait3A_198 = tpu.memref_slice %arg4[%dma_wait3A_193, %dma_wait3A_196, %dma_wait3A_197] : memref<3x32x1024xf32, #tpu.memory_space<vmem>> -> memref<1x32x1024xf32, #tpu.memory_space<vmem>>
    %dma_wait3A_199 = tpu.memref_squeeze %dma_wait3A_198 : memref<1x32x1024xf32, #tpu.memory_space<vmem>> -> memref<32x1024xf32, #tpu.memory_space<vmem>>
    %dma_wait3A_200 = arith.constant 0 : i32
    %dma_wait3A_201 = tpu.memref_slice %arg3[%dma_wait3A_194, %add3A_114, %dma_wait3A_200] : memref<4x4096x1024xf32, #tpu.memory_space<hbm>> -> memref<1x32x1024xf32, #tpu.memory_space<hbm>>
    %dma_wait3A_202 = tpu.memref_squeeze %dma_wait3A_201 : memref<1x32x1024xf32, #tpu.memory_space<hbm>> -> memref<32x1024xf32, #tpu.memory_space<hbm>>
    %dma_wait3A_203 = tpu.memref_slice %arg6[%dma_wait3A_195] : memref<3x!tpu.dma_semaphore, #tpu.memory_space<semaphore_mem>> -> memref<1x!tpu.dma_semaphore, #tpu.memory_space<semaphore_mem>>
    %dma_wait3A_204 = tpu.memref_squeeze %dma_wait3A_203 : memref<1x!tpu.dma_semaphore, #tpu.memory_space<semaphore_mem>> -> memref<!tpu.dma_semaphore, #tpu.memory_space<semaphore_mem>>
    %dma_wait3A_205 = arith.constant 0 : i32
    %dma_wait3A_206 = tpu.memref_slice %arg3[%dma_wait3A_194, %add3A_114, %dma_wait3A_205] : memref<4x4096x1024xf32, #tpu.memory_space<hbm>> -> memref<1x32x1024xf32, #tpu.memory_space<hbm>>
    %dma_wait3A_207 = tpu.memref_squeeze %dma_wait3A_206 : memref<1x32x1024xf32, #tpu.memory_space<hbm>> -> memref<32x1024xf32, #tpu.memory_space<hbm>>
    %dma_wait3A_208 = arith.constant 0 : i32
    %dma_wait3A_209 = arith.constant 0 : i32
    %dma_wait3A_210 = tpu.memref_slice %arg4[%dma_wait3A_193, %dma_wait3A_208, %dma_wait3A_209] : memref<3x32x1024xf32, #tpu.memory_space<vmem>> -> memref<1x32x1024xf32, #tpu.memory_space<vmem>>
    %dma_wait3A_211 = tpu.memref_squeeze %dma_wait3A_210 : memref<1x32x1024xf32, #tpu.memory_space<vmem>> -> memref<32x1024xf32, #tpu.memory_space<vmem>>
    tpu.wait_dma2 semaphore(%dma_wait3A_204 : memref<!tpu.dma_semaphore, #tpu.memory_space<semaphore_mem>>) src(%dma_wait3A_211 : memref<32x1024xf32, #tpu.memory_space<vmem>>) dst(%dma_wait3A_207 : memref<32x1024xf32, #tpu.memory_space<hbm>>)
    %dma_wait3A_212 = arith.constant 0 : i32
    %dma_wait3A_213 = arith.constant 3 : i32
    %dma_wait3A_214 = arith.constant 0 : i32
    %dma_wait3A_215 = arith.constant 0 : i32
    %dma_wait3A_216 = arith.constant 0 : i32
    %dma_wait3A_217 = tpu.memref_slice %arg4[%dma_wait3A_212, %dma_wait3A_215, %dma_wait3A_216] : memref<3x32x1024xf32, #tpu.memory_space<vmem>> -> memref<1x32x1024xf32, #tpu.memory_space<vmem>>
    %dma_wait3A_218 = tpu.memref_squeeze %dma_wait3A_217 : memref<1x32x1024xf32, #tpu.memory_space<vmem>> -> memref<32x1024xf32, #tpu.memory_space<vmem>>
    %dma_wait3A_219 = arith.constant 0 : i32
    %dma_wait3A_220 = tpu.memref_slice %arg3[%dma_wait3A_213, %add3A_135, %dma_wait3A_219] : memref<4x4096x1024xf32, #tpu.memory_space<hbm>> -> memref<1x32x1024xf32, #tpu.memory_space<hbm>>
    %dma_wait3A_221 = tpu.memref_squeeze %dma_wait3A_220 : memref<1x32x1024xf32, #tpu.memory_space<hbm>> -> memref<32x1024xf32, #tpu.memory_space<hbm>>
    %dma_wait3A_222 = tpu.memref_slice %arg6[%dma_wait3A_214] : memref<3x!tpu.dma_semaphore, #tpu.memory_space<semaphore_mem>> -> memref<1x!tpu.dma_semaphore, #tpu.memory_space<semaphore_mem>>
    %dma_wait3A_223 = tpu.memref_squeeze %dma_wait3A_222 : memref<1x!tpu.dma_semaphore, #tpu.memory_space<semaphore_mem>> -> memref<!tpu.dma_semaphore, #tpu.memory_space<semaphore_mem>>
    %dma_wait3A_224 = arith.constant 0 : i32
    %dma_wait3A_225 = tpu.memref_slice %arg3[%dma_wait3A_213, %add3A_135, %dma_wait3A_224] : memref<4x4096x1024xf32, #tpu.memory_space<hbm>> -> memref<1x32x1024xf32, #tpu.memory_space<hbm>>
    %dma_wait3A_226 = tpu.memref_squeeze %dma_wait3A_225 : memref<1x32x1024xf32, #tpu.memory_space<hbm>> -> memref<32x1024xf32, #tpu.memory_space<hbm>>
    %dma_wait3A_227 = arith.constant 0 : i32
    %dma_wait3A_228 = arith.constant 0 : i32
    %dma_wait3A_229 = tpu.memref_slice %arg4[%dma_wait3A_212, %dma_wait3A_227, %dma_wait3A_228] : memref<3x32x1024xf32, #tpu.memory_space<vmem>> -> memref<1x32x1024xf32, #tpu.memory_space<vmem>>
    %dma_wait3A_230 = tpu.memref_squeeze %dma_wait3A_229 : memref<1x32x1024xf32, #tpu.memory_space<vmem>> -> memref<32x1024xf32, #tpu.memory_space<vmem>>
    tpu.wait_dma2 semaphore(%dma_wait3A_223 : memref<!tpu.dma_semaphore, #tpu.memory_space<semaphore_mem>>) src(%dma_wait3A_230 : memref<32x1024xf32, #tpu.memory_space<vmem>>) dst(%dma_wait3A_226 : memref<32x1024xf32, #tpu.memory_space<hbm>>)
    %add3A_231 = arith.constant 96 : i32
    %add3A_232 = arith.addi %mul3A_2, %add3A_231 : i32
    %dma_start3A_233 = arith.constant 0 : i32
    %dma_start3A_234 = arith.constant 0 : i32
    %dma_start3A_235 = arith.constant 0 : i32
    %dma_start3A_236 = arith.constant 0 : i32
    %dma_start3A_237 = tpu.memref_slice %arg4[%dma_start3A_233, %dma_start3A_235, %dma_start3A_236] : memref<3x32x1024xf32, #tpu.memory_space<vmem>> -> memref<1x32x1024xf32, #tpu.memory_space<vmem>>
    %dma_start3A_238 = tpu.memref_squeeze %dma_start3A_237 : memref<1x32x1024xf32, #tpu.memory_space<vmem>> -> memref<32x1024xf32, #tpu.memory_space<vmem>>
    %dma_start3A_239 = arith.constant 0 : i32
    %dma_start3A_240 = tpu.memref_slice %arg2[%add3A_232, %dma_start3A_239] : memref<8192x1024xf32, #tpu.memory_space<hbm>> -> memref<32x1024xf32, #tpu.memory_space<hbm>>
    %dma_start3A_241 = tpu.memref_slice %arg5[%dma_start3A_234] : memref<3x!tpu.dma_semaphore, #tpu.memory_space<semaphore_mem>> -> memref<1x!tpu.dma_semaphore, #tpu.memory_space<semaphore_mem>>
    %dma_start3A_242 = tpu.memref_squeeze %dma_start3A_241 : memref<1x!tpu.dma_semaphore, #tpu.memory_space<semaphore_mem>> -> memref<!tpu.dma_semaphore, #tpu.memory_space<semaphore_mem>>
    %dma_start3A_243 = arith.constant 0 : i32
    %dma_start3A_244 = arith.constant 0 : i32
    %dma_start3A_245 = tpu.memref_slice %arg4[%dma_start3A_233, %dma_start3A_243, %dma_start3A_244] : memref<3x32x1024xf32, #tpu.memory_space<vmem>> -> memref<1x32x1024xf32, #tpu.memory_space<vmem>>
    %dma_start3A_246 = tpu.memref_squeeze %dma_start3A_245 : memref<1x32x1024xf32, #tpu.memory_space<vmem>> -> memref<32x1024xf32, #tpu.memory_space<vmem>>
    %dma_start3A_247 = arith.constant 0 : i32
    %dma_start3A_248 = tpu.memref_slice %arg2[%add3A_232, %dma_start3A_247] : memref<8192x1024xf32, #tpu.memory_space<hbm>> -> memref<32x1024xf32, #tpu.memory_space<hbm>>
    tpu.enqueue_dma source(%dma_start3A_248 : memref<32x1024xf32, #tpu.memory_space<hbm>>) target(%dma_start3A_246 : memref<32x1024xf32, #tpu.memory_space<vmem>>) target_semaphore(%dma_start3A_242 : memref<!tpu.dma_semaphore, #tpu.memory_space<semaphore_mem>>)
    %dma_wait3A_249 = arith.constant 1 : i32
    %dma_wait3A_250 = arith.constant 1 : i32
    %dma_wait3A_251 = arith.constant 0 : i32
    %dma_wait3A_252 = arith.constant 0 : i32
    %dma_wait3A_253 = tpu.memref_slice %arg4[%dma_wait3A_249, %dma_wait3A_251, %dma_wait3A_252] : memref<3x32x1024xf32, #tpu.memory_space<vmem>> -> memref<1x32x1024xf32, #tpu.memory_space<vmem>>
    %dma_wait3A_254 = tpu.memref_squeeze %dma_wait3A_253 : memref<1x32x1024xf32, #tpu.memory_space<vmem>> -> memref<32x1024xf32, #tpu.memory_space<vmem>>
    %dma_wait3A_255 = arith.constant 0 : i32
    %dma_wait3A_256 = tpu.memref_slice %arg2[%add3A_21, %dma_wait3A_255] : memref<8192x1024xf32, #tpu.memory_space<hbm>> -> memref<32x1024xf32, #tpu.memory_space<hbm>>
    %dma_wait3A_257 = tpu.memref_slice %arg5[%dma_wait3A_250] : memref<3x!tpu.dma_semaphore, #tpu.memory_space<semaphore_mem>> -> memref<1x!tpu.dma_semaphore, #tpu.memory_space<semaphore_mem>>
    %dma_wait3A_258 = tpu.memref_squeeze %dma_wait3A_257 : memref<1x!tpu.dma_semaphore, #tpu.memory_space<semaphore_mem>> -> memref<!tpu.dma_semaphore, #tpu.memory_space<semaphore_mem>>
    %dma_wait3A_259 = arith.constant 0 : i32
    %dma_wait3A_260 = arith.constant 0 : i32
    %dma_wait3A_261 = tpu.memref_slice %arg4[%dma_wait3A_249, %dma_wait3A_259, %dma_wait3A_260] : memref<3x32x1024xf32, #tpu.memory_space<vmem>> -> memref<1x32x1024xf32, #tpu.memory_space<vmem>>
    %dma_wait3A_262 = tpu.memref_squeeze %dma_wait3A_261 : memref<1x32x1024xf32, #tpu.memory_space<vmem>> -> memref<32x1024xf32, #tpu.memory_space<vmem>>
    %dma_wait3A_263 = arith.constant 0 : i32
    %dma_wait3A_264 = tpu.memref_slice %arg2[%add3A_21, %dma_wait3A_263] : memref<8192x1024xf32, #tpu.memory_space<hbm>> -> memref<32x1024xf32, #tpu.memory_space<hbm>>
    tpu.wait_dma2 semaphore(%dma_wait3A_258 : memref<!tpu.dma_semaphore, #tpu.memory_space<semaphore_mem>>) src(%dma_wait3A_264 : memref<32x1024xf32, #tpu.memory_space<hbm>>) dst(%dma_wait3A_262 : memref<32x1024xf32, #tpu.memory_space<vmem>>)
    %add3A_265 = arith.constant 32 : i32
    %add3A_266 = arith.addi %mul3A_2, %add3A_265 : i32
    %dma_start3A_267 = arith.constant 1 : i32
    %dma_start3A_268 = arith.constant 0 : i32
    %dma_start3A_269 = arith.constant 1 : i32
    %dma_start3A_270 = arith.constant 0 : i32
    %dma_start3A_271 = arith.constant 0 : i32
    %dma_start3A_272 = tpu.memref_slice %arg4[%dma_start3A_267, %dma_start3A_270, %dma_start3A_271] : memref<3x32x1024xf32, #tpu.memory_space<vmem>> -> memref<1x32x1024xf32, #tpu.memory_space<vmem>>
    %dma_start3A_273 = tpu.memref_squeeze %dma_start3A_272 : memref<1x32x1024xf32, #tpu.memory_space<vmem>> -> memref<32x1024xf32, #tpu.memory_space<vmem>>
    %dma_start3A_274 = arith.constant 0 : i32
    %dma_start3A_275 = tpu.memref_slice %arg3[%dma_start3A_268, %add3A_266, %dma_start3A_274] : memref<4x4096x1024xf32, #tpu.memory_space<hbm>> -> memref<1x32x1024xf32, #tpu.memory_space<hbm>>
    %dma_start3A_276 = tpu.memref_squeeze %dma_start3A_275 : memref<1x32x1024xf32, #tpu.memory_space<hbm>> -> memref<32x1024xf32, #tpu.memory_space<hbm>>
    %dma_start3A_277 = tpu.memref_slice %arg6[%dma_start3A_269] : memref<3x!tpu.dma_semaphore, #tpu.memory_space<semaphore_mem>> -> memref<1x!tpu.dma_semaphore, #tpu.memory_space<semaphore_mem>>
    %dma_start3A_278 = tpu.memref_squeeze %dma_start3A_277 : memref<1x!tpu.dma_semaphore, #tpu.memory_space<semaphore_mem>> -> memref<!tpu.dma_semaphore, #tpu.memory_space<semaphore_mem>>
    %dma_start3A_279 = arith.constant 0 : i32
    %dma_start3A_280 = tpu.memref_slice %arg3[%dma_start3A_268, %add3A_266, %dma_start3A_279] : memref<4x4096x1024xf32, #tpu.memory_space<hbm>> -> memref<1x32x1024xf32, #tpu.memory_space<hbm>>
    %dma_start3A_281 = tpu.memref_squeeze %dma_start3A_280 : memref<1x32x1024xf32, #tpu.memory_space<hbm>> -> memref<32x1024xf32, #tpu.memory_space<hbm>>
    %dma_start3A_282 = arith.constant 0 : i32
    %dma_start3A_283 = arith.constant 0 : i32
    %dma_start3A_284 = tpu.memref_slice %arg4[%dma_start3A_267, %dma_start3A_282, %dma_start3A_283] : memref<3x32x1024xf32, #tpu.memory_space<vmem>> -> memref<1x32x1024xf32, #tpu.memory_space<vmem>>
    %dma_start3A_285 = tpu.memref_squeeze %dma_start3A_284 : memref<1x32x1024xf32, #tpu.memory_space<vmem>> -> memref<32x1024xf32, #tpu.memory_space<vmem>>
    tpu.enqueue_dma source(%dma_start3A_285 : memref<32x1024xf32, #tpu.memory_space<vmem>>) target(%dma_start3A_281 : memref<32x1024xf32, #tpu.memory_space<hbm>>) target_semaphore(%dma_start3A_278 : memref<!tpu.dma_semaphore, #tpu.memory_space<semaphore_mem>>)
    %add3A_286 = arith.constant 32 : i32
    %add3A_287 = arith.addi %mul3A_2, %add3A_286 : i32
    %dma_start3A_288 = arith.constant 1 : i32
    %dma_start3A_289 = arith.constant 1 : i32
    %dma_start3A_290 = arith.constant 1 : i32
    %dma_start3A_291 = arith.constant 0 : i32
    %dma_start3A_292 = arith.constant 0 : i32
    %dma_start3A_293 = tpu.memref_slice %arg4[%dma_start3A_288, %dma_start3A_291, %dma_start3A_292] : memref<3x32x1024xf32, #tpu.memory_space<vmem>> -> memref<1x32x1024xf32, #tpu.memory_space<vmem>>
    %dma_start3A_294 = tpu.memref_squeeze %dma_start3A_293 : memref<1x32x1024xf32, #tpu.memory_space<vmem>> -> memref<32x1024xf32, #tpu.memory_space<vmem>>
    %dma_start3A_295 = arith.constant 0 : i32
    %dma_start3A_296 = tpu.memref_slice %arg3[%dma_start3A_289, %add3A_287, %dma_start3A_295] : memref<4x4096x1024xf32, #tpu.memory_space<hbm>> -> memref<1x32x1024xf32, #tpu.memory_space<hbm>>
    %dma_start3A_297 = tpu.memref_squeeze %dma_start3A_296 : memref<1x32x1024xf32, #tpu.memory_space<hbm>> -> memref<32x1024xf32, #tpu.memory_space<hbm>>
    %dma_start3A_298 = tpu.memref_slice %arg6[%dma_start3A_290] : memref<3x!tpu.dma_semaphore, #tpu.memory_space<semaphore_mem>> -> memref<1x!tpu.dma_semaphore, #tpu.memory_space<semaphore_mem>>
    %dma_start3A_299 = tpu.memref_squeeze %dma_start3A_298 : memref<1x!tpu.dma_semaphore, #tpu.memory_space<semaphore_mem>> -> memref<!tpu.dma_semaphore, #tpu.memory_space<semaphore_mem>>
    %dma_start3A_300 = arith.constant 0 : i32
    %dma_start3A_301 = tpu.memref_slice %arg3[%dma_start3A_289, %add3A_287, %dma_start3A_300] : memref<4x4096x1024xf32, #tpu.memory_space<hbm>> -> memref<1x32x1024xf32, #tpu.memory_space<hbm>>
    %dma_start3A_302 = tpu.memref_squeeze %dma_start3A_301 : memref<1x32x1024xf32, #tpu.memory_space<hbm>> -> memref<32x1024xf32, #tpu.memory_space<hbm>>
    %dma_start3A_303 = arith.constant 0 : i32
    %dma_start3A_304 = arith.constant 0 : i32
    %dma_start3A_305 = tpu.memref_slice %arg4[%dma_start3A_288, %dma_start3A_303, %dma_start3A_304] : memref<3x32x1024xf32, #tpu.memory_space<vmem>> -> memref<1x32x1024xf32, #tpu.memory_space<vmem>>
    %dma_start3A_306 = tpu.memref_squeeze %dma_start3A_305 : memref<1x32x1024xf32, #tpu.memory_space<vmem>> -> memref<32x1024xf32, #tpu.memory_space<vmem>>
    tpu.enqueue_dma source(%dma_start3A_306 : memref<32x1024xf32, #tpu.memory_space<vmem>>) target(%dma_start3A_302 : memref<32x1024xf32, #tpu.memory_space<hbm>>) target_semaphore(%dma_start3A_299 : memref<!tpu.dma_semaphore, #tpu.memory_space<semaphore_mem>>)
    %add3A_307 = arith.constant 32 : i32
    %add3A_308 = arith.addi %mul3A_2, %add3A_307 : i32
    %dma_start3A_309 = arith.constant 1 : i32
    %dma_start3A_310 = arith.constant 2 : i32
    %dma_start3A_311 = arith.constant 1 : i32
    %dma_start3A_312 = arith.constant 0 : i32
    %dma_start3A_313 = arith.constant 0 : i32
    %dma_start3A_314 = tpu.memref_slice %arg4[%dma_start3A_309, %dma_start3A_312, %dma_start3A_313] : memref<3x32x1024xf32, #tpu.memory_space<vmem>> -> memref<1x32x1024xf32, #tpu.memory_space<vmem>>
    %dma_start3A_315 = tpu.memref_squeeze %dma_start3A_314 : memref<1x32x1024xf32, #tpu.memory_space<vmem>> -> memref<32x1024xf32, #tpu.memory_space<vmem>>
    %dma_start3A_316 = arith.constant 0 : i32
    %dma_start3A_317 = tpu.memref_slice %arg3[%dma_start3A_310, %add3A_308, %dma_start3A_316] : memref<4x4096x1024xf32, #tpu.memory_space<hbm>> -> memref<1x32x1024xf32, #tpu.memory_space<hbm>>
    %dma_start3A_318 = tpu.memref_squeeze %dma_start3A_317 : memref<1x32x1024xf32, #tpu.memory_space<hbm>> -> memref<32x1024xf32, #tpu.memory_space<hbm>>
    %dma_start3A_319 = tpu.memref_slice %arg6[%dma_start3A_311] : memref<3x!tpu.dma_semaphore, #tpu.memory_space<semaphore_mem>> -> memref<1x!tpu.dma_semaphore, #tpu.memory_space<semaphore_mem>>
    %dma_start3A_320 = tpu.memref_squeeze %dma_start3A_319 : memref<1x!tpu.dma_semaphore, #tpu.memory_space<semaphore_mem>> -> memref<!tpu.dma_semaphore, #tpu.memory_space<semaphore_mem>>
    %dma_start3A_321 = arith.constant 0 : i32
    %dma_start3A_322 = tpu.memref_slice %arg3[%dma_start3A_310, %add3A_308, %dma_start3A_321] : memref<4x4096x1024xf32, #tpu.memory_space<hbm>> -> memref<1x32x1024xf32, #tpu.memory_space<hbm>>
    %dma_start3A_323 = tpu.memref_squeeze %dma_start3A_322 : memref<1x32x1024xf32, #tpu.memory_space<hbm>> -> memref<32x1024xf32, #tpu.memory_space<hbm>>
    %dma_start3A_324 = arith.constant 0 : i32
    %dma_start3A_325 = arith.constant 0 : i32
    %dma_start3A_326 = tpu.memref_slice %arg4[%dma_start3A_309, %dma_start3A_324, %dma_start3A_325] : memref<3x32x1024xf32, #tpu.memory_space<vmem>> -> memref<1x32x1024xf32, #tpu.memory_space<vmem>>
    %dma_start3A_327 = tpu.memref_squeeze %dma_start3A_326 : memref<1x32x1024xf32, #tpu.memory_space<vmem>> -> memref<32x1024xf32, #tpu.memory_space<vmem>>
    tpu.enqueue_dma source(%dma_start3A_327 : memref<32x1024xf32, #tpu.memory_space<vmem>>) target(%dma_start3A_323 : memref<32x1024xf32, #tpu.memory_space<hbm>>) target_semaphore(%dma_start3A_320 : memref<!tpu.dma_semaphore, #tpu.memory_space<semaphore_mem>>)
    %add3A_328 = arith.constant 32 : i32
    %add3A_329 = arith.addi %mul3A_2, %add3A_328 : i32
    %dma_start3A_330 = arith.constant 1 : i32
    %dma_start3A_331 = arith.constant 3 : i32
    %dma_start3A_332 = arith.constant 1 : i32
    %dma_start3A_333 = arith.constant 0 : i32
    %dma_start3A_334 = arith.constant 0 : i32
    %dma_start3A_335 = tpu.memref_slice %arg4[%dma_start3A_330, %dma_start3A_333, %dma_start3A_334] : memref<3x32x1024xf32, #tpu.memory_space<vmem>> -> memref<1x32x1024xf32, #tpu.memory_space<vmem>>
    %dma_start3A_336 = tpu.memref_squeeze %dma_start3A_335 : memref<1x32x1024xf32, #tpu.memory_space<vmem>> -> memref<32x1024xf32, #tpu.memory_space<vmem>>
    %dma_start3A_337 = arith.constant 0 : i32
    %dma_start3A_338 = tpu.memref_slice %arg3[%dma_start3A_331, %add3A_329, %dma_start3A_337] : memref<4x4096x1024xf32, #tpu.memory_space<hbm>> -> memref<1x32x1024xf32, #tpu.memory_space<hbm>>
    %dma_start3A_339 = tpu.memref_squeeze %dma_start3A_338 : memref<1x32x1024xf32, #tpu.memory_space<hbm>> -> memref<32x1024xf32, #tpu.memory_space<hbm>>
    %dma_start3A_340 = tpu.memref_slice %arg6[%dma_start3A_332] : memref<3x!tpu.dma_semaphore, #tpu.memory_space<semaphore_mem>> -> memref<1x!tpu.dma_semaphore, #tpu.memory_space<semaphore_mem>>
    %dma_start3A_341 = tpu.memref_squeeze %dma_start3A_340 : memref<1x!tpu.dma_semaphore, #tpu.memory_space<semaphore_mem>> -> memref<!tpu.dma_semaphore, #tpu.memory_space<semaphore_mem>>
    %dma_start3A_342 = arith.constant 0 : i32
    %dma_start3A_343 = tpu.memref_slice %arg3[%dma_start3A_331, %add3A_329, %dma_start3A_342] : memref<4x4096x1024xf32, #tpu.memory_space<hbm>> -> memref<1x32x1024xf32, #tpu.memory_space<hbm>>
    %dma_start3A_344 = tpu.memref_squeeze %dma_start3A_343 : memref<1x32x1024xf32, #tpu.memory_space<hbm>> -> memref<32x1024xf32, #tpu.memory_space<hbm>>
    %dma_start3A_345 = arith.constant 0 : i32
    %dma_start3A_346 = arith.constant 0 : i32
    %dma_start3A_347 = tpu.memref_slice %arg4[%dma_start3A_330, %dma_start3A_345, %dma_start3A_346] : memref<3x32x1024xf32, #tpu.memory_space<vmem>> -> memref<1x32x1024xf32, #tpu.memory_space<vmem>>
    %dma_start3A_348 = tpu.memref_squeeze %dma_start3A_347 : memref<1x32x1024xf32, #tpu.memory_space<vmem>> -> memref<32x1024xf32, #tpu.memory_space<vmem>>
    tpu.enqueue_dma source(%dma_start3A_348 : memref<32x1024xf32, #tpu.memory_space<vmem>>) target(%dma_start3A_344 : memref<32x1024xf32, #tpu.memory_space<hbm>>) target_semaphore(%dma_start3A_341 : memref<!tpu.dma_semaphore, #tpu.memory_space<semaphore_mem>>)
    %dma_wait3A_349 = arith.constant 2 : i32
    %dma_wait3A_350 = arith.constant 2 : i32
    %dma_wait3A_351 = arith.constant 0 : i32
    %dma_wait3A_352 = arith.constant 0 : i32
    %dma_wait3A_353 = tpu.memref_slice %arg4[%dma_wait3A_349, %dma_wait3A_351, %dma_wait3A_352] : memref<3x32x1024xf32, #tpu.memory_space<vmem>> -> memref<1x32x1024xf32, #tpu.memory_space<vmem>>
    %dma_wait3A_354 = tpu.memref_squeeze %dma_wait3A_353 : memref<1x32x1024xf32, #tpu.memory_space<vmem>> -> memref<32x1024xf32, #tpu.memory_space<vmem>>
    %dma_wait3A_355 = arith.constant 0 : i32
    %dma_wait3A_356 = tpu.memref_slice %arg2[%add3A_39, %dma_wait3A_355] : memref<8192x1024xf32, #tpu.memory_space<hbm>> -> memref<32x1024xf32, #tpu.memory_space<hbm>>
    %dma_wait3A_357 = tpu.memref_slice %arg5[%dma_wait3A_350] : memref<3x!tpu.dma_semaphore, #tpu.memory_space<semaphore_mem>> -> memref<1x!tpu.dma_semaphore, #tpu.memory_space<semaphore_mem>>
    %dma_wait3A_358 = tpu.memref_squeeze %dma_wait3A_357 : memref<1x!tpu.dma_semaphore, #tpu.memory_space<semaphore_mem>> -> memref<!tpu.dma_semaphore, #tpu.memory_space<semaphore_mem>>
    %dma_wait3A_359 = arith.constant 0 : i32
    %dma_wait3A_360 = arith.constant 0 : i32
    %dma_wait3A_361 = tpu.memref_slice %arg4[%dma_wait3A_349, %dma_wait3A_359, %dma_wait3A_360] : memref<3x32x1024xf32, #tpu.memory_space<vmem>> -> memref<1x32x1024xf32, #tpu.memory_space<vmem>>
    %dma_wait3A_362 = tpu.memref_squeeze %dma_wait3A_361 : memref<1x32x1024xf32, #tpu.memory_space<vmem>> -> memref<32x1024xf32, #tpu.memory_space<vmem>>
    %dma_wait3A_363 = arith.constant 0 : i32
    %dma_wait3A_364 = tpu.memref_slice %arg2[%add3A_39, %dma_wait3A_363] : memref<8192x1024xf32, #tpu.memory_space<hbm>> -> memref<32x1024xf32, #tpu.memory_space<hbm>>
    tpu.wait_dma2 semaphore(%dma_wait3A_358 : memref<!tpu.dma_semaphore, #tpu.memory_space<semaphore_mem>>) src(%dma_wait3A_364 : memref<32x1024xf32, #tpu.memory_space<hbm>>) dst(%dma_wait3A_362 : memref<32x1024xf32, #tpu.memory_space<vmem>>)
    %add3A_365 = arith.constant 64 : i32
    %add3A_366 = arith.addi %mul3A_2, %add3A_365 : i32
    %dma_start3A_367 = arith.constant 2 : i32
    %dma_start3A_368 = arith.constant 0 : i32
    %dma_start3A_369 = arith.constant 2 : i32
    %dma_start3A_370 = arith.constant 0 : i32
    %dma_start3A_371 = arith.constant 0 : i32
    %dma_start3A_372 = tpu.memref_slice %arg4[%dma_start3A_367, %dma_start3A_370, %dma_start3A_371] : memref<3x32x1024xf32, #tpu.memory_space<vmem>> -> memref<1x32x1024xf32, #tpu.memory_space<vmem>>
    %dma_start3A_373 = tpu.memref_squeeze %dma_start3A_372 : memref<1x32x1024xf32, #tpu.memory_space<vmem>> -> memref<32x1024xf32, #tpu.memory_space<vmem>>
    %dma_start3A_374 = arith.constant 0 : i32
    %dma_start3A_375 = tpu.memref_slice %arg3[%dma_start3A_368, %add3A_366, %dma_start3A_374] : memref<4x4096x1024xf32, #tpu.memory_space<hbm>> -> memref<1x32x1024xf32, #tpu.memory_space<hbm>>
    %dma_start3A_376 = tpu.memref_squeeze %dma_start3A_375 : memref<1x32x1024xf32, #tpu.memory_space<hbm>> -> memref<32x1024xf32, #tpu.memory_space<hbm>>
    %dma_start3A_377 = tpu.memref_slice %arg6[%dma_start3A_369] : memref<3x!tpu.dma_semaphore, #tpu.memory_space<semaphore_mem>> -> memref<1x!tpu.dma_semaphore, #tpu.memory_space<semaphore_mem>>
    %dma_start3A_378 = tpu.memref_squeeze %dma_start3A_377 : memref<1x!tpu.dma_semaphore, #tpu.memory_space<semaphore_mem>> -> memref<!tpu.dma_semaphore, #tpu.memory_space<semaphore_mem>>
    %dma_start3A_379 = arith.constant 0 : i32
    %dma_start3A_380 = tpu.memref_slice %arg3[%dma_start3A_368, %add3A_366, %dma_start3A_379] : memref<4x4096x1024xf32, #tpu.memory_space<hbm>> -> memref<1x32x1024xf32, #tpu.memory_space<hbm>>
    %dma_start3A_381 = tpu.memref_squeeze %dma_start3A_380 : memref<1x32x1024xf32, #tpu.memory_space<hbm>> -> memref<32x1024xf32, #tpu.memory_space<hbm>>
    %dma_start3A_382 = arith.constant 0 : i32
    %dma_start3A_383 = arith.constant 0 : i32
    %dma_start3A_384 = tpu.memref_slice %arg4[%dma_start3A_367, %dma_start3A_382, %dma_start3A_383] : memref<3x32x1024xf32, #tpu.memory_space<vmem>> -> memref<1x32x1024xf32, #tpu.memory_space<vmem>>
    %dma_start3A_385 = tpu.memref_squeeze %dma_start3A_384 : memref<1x32x1024xf32, #tpu.memory_space<vmem>> -> memref<32x1024xf32, #tpu.memory_space<vmem>>
    tpu.enqueue_dma source(%dma_start3A_385 : memref<32x1024xf32, #tpu.memory_space<vmem>>) target(%dma_start3A_381 : memref<32x1024xf32, #tpu.memory_space<hbm>>) target_semaphore(%dma_start3A_378 : memref<!tpu.dma_semaphore, #tpu.memory_space<semaphore_mem>>)
    %add3A_386 = arith.constant 64 : i32
    %add3A_387 = arith.addi %mul3A_2, %add3A_386 : i32
    %dma_start3A_388 = arith.constant 2 : i32
    %dma_start3A_389 = arith.constant 1 : i32
    %dma_start3A_390 = arith.constant 2 : i32
    %dma_start3A_391 = arith.constant 0 : i32
    %dma_start3A_392 = arith.constant 0 : i32
    %dma_start3A_393 = tpu.memref_slice %arg4[%dma_start3A_388, %dma_start3A_391, %dma_start3A_392] : memref<3x32x1024xf32, #tpu.memory_space<vmem>> -> memref<1x32x1024xf32, #tpu.memory_space<vmem>>
    %dma_start3A_394 = tpu.memref_squeeze %dma_start3A_393 : memref<1x32x1024xf32, #tpu.memory_space<vmem>> -> memref<32x1024xf32, #tpu.memory_space<vmem>>
    %dma_start3A_395 = arith.constant 0 : i32
    %dma_start3A_396 = tpu.memref_slice %arg3[%dma_start3A_389, %add3A_387, %dma_start3A_395] : memref<4x4096x1024xf32, #tpu.memory_space<hbm>> -> memref<1x32x1024xf32, #tpu.memory_space<hbm>>
    %dma_start3A_397 = tpu.memref_squeeze %dma_start3A_396 : memref<1x32x1024xf32, #tpu.memory_space<hbm>> -> memref<32x1024xf32, #tpu.memory_space<hbm>>
    %dma_start3A_398 = tpu.memref_slice %arg6[%dma_start3A_390] : memref<3x!tpu.dma_semaphore, #tpu.memory_space<semaphore_mem>> -> memref<1x!tpu.dma_semaphore, #tpu.memory_space<semaphore_mem>>
    %dma_start3A_399 = tpu.memref_squeeze %dma_start3A_398 : memref<1x!tpu.dma_semaphore, #tpu.memory_space<semaphore_mem>> -> memref<!tpu.dma_semaphore, #tpu.memory_space<semaphore_mem>>
    %dma_start3A_400 = arith.constant 0 : i32
    %dma_start3A_401 = tpu.memref_slice %arg3[%dma_start3A_389, %add3A_387, %dma_start3A_400] : memref<4x4096x1024xf32, #tpu.memory_space<hbm>> -> memref<1x32x1024xf32, #tpu.memory_space<hbm>>
    %dma_start3A_402 = tpu.memref_squeeze %dma_start3A_401 : memref<1x32x1024xf32, #tpu.memory_space<hbm>> -> memref<32x1024xf32, #tpu.memory_space<hbm>>
    %dma_start3A_403 = arith.constant 0 : i32
    %dma_start3A_404 = arith.constant 0 : i32
    %dma_start3A_405 = tpu.memref_slice %arg4[%dma_start3A_388, %dma_start3A_403, %dma_start3A_404] : memref<3x32x1024xf32, #tpu.memory_space<vmem>> -> memref<1x32x1024xf32, #tpu.memory_space<vmem>>
    %dma_start3A_406 = tpu.memref_squeeze %dma_start3A_405 : memref<1x32x1024xf32, #tpu.memory_space<vmem>> -> memref<32x1024xf32, #tpu.memory_space<vmem>>
    tpu.enqueue_dma source(%dma_start3A_406 : memref<32x1024xf32, #tpu.memory_space<vmem>>) target(%dma_start3A_402 : memref<32x1024xf32, #tpu.memory_space<hbm>>) target_semaphore(%dma_start3A_399 : memref<!tpu.dma_semaphore, #tpu.memory_space<semaphore_mem>>)
    %add3A_407 = arith.constant 64 : i32
    %add3A_408 = arith.addi %mul3A_2, %add3A_407 : i32
    %dma_start3A_409 = arith.constant 2 : i32
    %dma_start3A_410 = arith.constant 2 : i32
    %dma_start3A_411 = arith.constant 2 : i32
    %dma_start3A_412 = arith.constant 0 : i32
    %dma_start3A_413 = arith.constant 0 : i32
    %dma_start3A_414 = tpu.memref_slice %arg4[%dma_start3A_409, %dma_start3A_412, %dma_start3A_413] : memref<3x32x1024xf32, #tpu.memory_space<vmem>> -> memref<1x32x1024xf32, #tpu.memory_space<vmem>>
    %dma_start3A_415 = tpu.memref_squeeze %dma_start3A_414 : memref<1x32x1024xf32, #tpu.memory_space<vmem>> -> memref<32x1024xf32, #tpu.memory_space<vmem>>
    %dma_start3A_416 = arith.constant 0 : i32
    %dma_start3A_417 = tpu.memref_slice %arg3[%dma_start3A_410, %add3A_408, %dma_start3A_416] : memref<4x4096x1024xf32, #tpu.memory_space<hbm>> -> memref<1x32x1024xf32, #tpu.memory_space<hbm>>
    %dma_start3A_418 = tpu.memref_squeeze %dma_start3A_417 : memref<1x32x1024xf32, #tpu.memory_space<hbm>> -> memref<32x1024xf32, #tpu.memory_space<hbm>>
    %dma_start3A_419 = tpu.memref_slice %arg6[%dma_start3A_411] : memref<3x!tpu.dma_semaphore, #tpu.memory_space<semaphore_mem>> -> memref<1x!tpu.dma_semaphore, #tpu.memory_space<semaphore_mem>>
    %dma_start3A_420 = tpu.memref_squeeze %dma_start3A_419 : memref<1x!tpu.dma_semaphore, #tpu.memory_space<semaphore_mem>> -> memref<!tpu.dma_semaphore, #tpu.memory_space<semaphore_mem>>
    %dma_start3A_421 = arith.constant 0 : i32
    %dma_start3A_422 = tpu.memref_slice %arg3[%dma_start3A_410, %add3A_408, %dma_start3A_421] : memref<4x4096x1024xf32, #tpu.memory_space<hbm>> -> memref<1x32x1024xf32, #tpu.memory_space<hbm>>
    %dma_start3A_423 = tpu.memref_squeeze %dma_start3A_422 : memref<1x32x1024xf32, #tpu.memory_space<hbm>> -> memref<32x1024xf32, #tpu.memory_space<hbm>>
    %dma_start3A_424 = arith.constant 0 : i32
    %dma_start3A_425 = arith.constant 0 : i32
    %dma_start3A_426 = tpu.memref_slice %arg4[%dma_start3A_409, %dma_start3A_424, %dma_start3A_425] : memref<3x32x1024xf32, #tpu.memory_space<vmem>> -> memref<1x32x1024xf32, #tpu.memory_space<vmem>>
    %dma_start3A_427 = tpu.memref_squeeze %dma_start3A_426 : memref<1x32x1024xf32, #tpu.memory_space<vmem>> -> memref<32x1024xf32, #tpu.memory_space<vmem>>
    tpu.enqueue_dma source(%dma_start3A_427 : memref<32x1024xf32, #tpu.memory_space<vmem>>) target(%dma_start3A_423 : memref<32x1024xf32, #tpu.memory_space<hbm>>) target_semaphore(%dma_start3A_420 : memref<!tpu.dma_semaphore, #tpu.memory_space<semaphore_mem>>)
    %add3A_428 = arith.constant 64 : i32
    %add3A_429 = arith.addi %mul3A_2, %add3A_428 : i32
    %dma_start3A_430 = arith.constant 2 : i32
    %dma_start3A_431 = arith.constant 3 : i32
    %dma_start3A_432 = arith.constant 2 : i32
    %dma_start3A_433 = arith.constant 0 : i32
    %dma_start3A_434 = arith.constant 0 : i32
    %dma_start3A_435 = tpu.memref_slice %arg4[%dma_start3A_430, %dma_start3A_433, %dma_start3A_434] : memref<3x32x1024xf32, #tpu.memory_space<vmem>> -> memref<1x32x1024xf32, #tpu.memory_space<vmem>>
    %dma_start3A_436 = tpu.memref_squeeze %dma_start3A_435 : memref<1x32x1024xf32, #tpu.memory_space<vmem>> -> memref<32x1024xf32, #tpu.memory_space<vmem>>
    %dma_start3A_437 = arith.constant 0 : i32
    %dma_start3A_438 = tpu.memref_slice %arg3[%dma_start3A_431, %add3A_429, %dma_start3A_437] : memref<4x4096x1024xf32, #tpu.memory_space<hbm>> -> memref<1x32x1024xf32, #tpu.memory_space<hbm>>
    %dma_start3A_439 = tpu.memref_squeeze %dma_start3A_438 : memref<1x32x1024xf32, #tpu.memory_space<hbm>> -> memref<32x1024xf32, #tpu.memory_space<hbm>>
    %dma_start3A_440 = tpu.memref_slice %arg6[%dma_start3A_432] : memref<3x!tpu.dma_semaphore, #tpu.memory_space<semaphore_mem>> -> memref<1x!tpu.dma_semaphore, #tpu.memory_space<semaphore_mem>>
    %dma_start3A_441 = tpu.memref_squeeze %dma_start3A_440 : memref<1x!tpu.dma_semaphore, #tpu.memory_space<semaphore_mem>> -> memref<!tpu.dma_semaphore, #tpu.memory_space<semaphore_mem>>
    %dma_start3A_442 = arith.constant 0 : i32
    %dma_start3A_443 = tpu.memref_slice %arg3[%dma_start3A_431, %add3A_429, %dma_start3A_442] : memref<4x4096x1024xf32, #tpu.memory_space<hbm>> -> memref<1x32x1024xf32, #tpu.memory_space<hbm>>
    %dma_start3A_444 = tpu.memref_squeeze %dma_start3A_443 : memref<1x32x1024xf32, #tpu.memory_space<hbm>> -> memref<32x1024xf32, #tpu.memory_space<hbm>>
    %dma_start3A_445 = arith.constant 0 : i32
    %dma_start3A_446 = arith.constant 0 : i32
    %dma_start3A_447 = tpu.memref_slice %arg4[%dma_start3A_430, %dma_start3A_445, %dma_start3A_446] : memref<3x32x1024xf32, #tpu.memory_space<vmem>> -> memref<1x32x1024xf32, #tpu.memory_space<vmem>>
    %dma_start3A_448 = tpu.memref_squeeze %dma_start3A_447 : memref<1x32x1024xf32, #tpu.memory_space<vmem>> -> memref<32x1024xf32, #tpu.memory_space<vmem>>
    tpu.enqueue_dma source(%dma_start3A_448 : memref<32x1024xf32, #tpu.memory_space<vmem>>) target(%dma_start3A_444 : memref<32x1024xf32, #tpu.memory_space<hbm>>) target_semaphore(%dma_start3A_441 : memref<!tpu.dma_semaphore, #tpu.memory_space<semaphore_mem>>)
    %dma_wait3A_449 = arith.constant 0 : i32
    %dma_wait3A_450 = arith.constant 0 : i32
    %dma_wait3A_451 = arith.constant 0 : i32
    %dma_wait3A_452 = arith.constant 0 : i32
    %dma_wait3A_453 = tpu.memref_slice %arg4[%dma_wait3A_449, %dma_wait3A_451, %dma_wait3A_452] : memref<3x32x1024xf32, #tpu.memory_space<vmem>> -> memref<1x32x1024xf32, #tpu.memory_space<vmem>>
    %dma_wait3A_454 = tpu.memref_squeeze %dma_wait3A_453 : memref<1x32x1024xf32, #tpu.memory_space<vmem>> -> memref<32x1024xf32, #tpu.memory_space<vmem>>
    %dma_wait3A_455 = arith.constant 0 : i32
    %dma_wait3A_456 = tpu.memref_slice %arg2[%add3A_232, %dma_wait3A_455] : memref<8192x1024xf32, #tpu.memory_space<hbm>> -> memref<32x1024xf32, #tpu.memory_space<hbm>>
    %dma_wait3A_457 = tpu.memref_slice %arg5[%dma_wait3A_450] : memref<3x!tpu.dma_semaphore, #tpu.memory_space<semaphore_mem>> -> memref<1x!tpu.dma_semaphore, #tpu.memory_space<semaphore_mem>>
    %dma_wait3A_458 = tpu.memref_squeeze %dma_wait3A_457 : memref<1x!tpu.dma_semaphore, #tpu.memory_space<semaphore_mem>> -> memref<!tpu.dma_semaphore, #tpu.memory_space<semaphore_mem>>
    %dma_wait3A_459 = arith.constant 0 : i32
    %dma_wait3A_460 = arith.constant 0 : i32
    %dma_wait3A_461 = tpu.memref_slice %arg4[%dma_wait3A_449, %dma_wait3A_459, %dma_wait3A_460] : memref<3x32x1024xf32, #tpu.memory_space<vmem>> -> memref<1x32x1024xf32, #tpu.memory_space<vmem>>
    %dma_wait3A_462 = tpu.memref_squeeze %dma_wait3A_461 : memref<1x32x1024xf32, #tpu.memory_space<vmem>> -> memref<32x1024xf32, #tpu.memory_space<vmem>>
    %dma_wait3A_463 = arith.constant 0 : i32
    %dma_wait3A_464 = tpu.memref_slice %arg2[%add3A_232, %dma_wait3A_463] : memref<8192x1024xf32, #tpu.memory_space<hbm>> -> memref<32x1024xf32, #tpu.memory_space<hbm>>
    tpu.wait_dma2 semaphore(%dma_wait3A_458 : memref<!tpu.dma_semaphore, #tpu.memory_space<semaphore_mem>>) src(%dma_wait3A_464 : memref<32x1024xf32, #tpu.memory_space<hbm>>) dst(%dma_wait3A_462 : memref<32x1024xf32, #tpu.memory_space<vmem>>)
    %add3A_465 = arith.constant 96 : i32
    %add3A_466 = arith.addi %mul3A_2, %add3A_465 : i32
    %dma_start3A_467 = arith.constant 0 : i32
    %dma_start3A_468 = arith.constant 0 : i32
    %dma_start3A_469 = arith.constant 0 : i32
    %dma_start3A_470 = arith.constant 0 : i32
    %dma_start3A_471 = arith.constant 0 : i32
    %dma_start3A_472 = tpu.memref_slice %arg4[%dma_start3A_467, %dma_start3A_470, %dma_start3A_471] : memref<3x32x1024xf32, #tpu.memory_space<vmem>> -> memref<1x32x1024xf32, #tpu.memory_space<vmem>>
    %dma_start3A_473 = tpu.memref_squeeze %dma_start3A_472 : memref<1x32x1024xf32, #tpu.memory_space<vmem>> -> memref<32x1024xf32, #tpu.memory_space<vmem>>
    %dma_start3A_474 = arith.constant 0 : i32
    %dma_start3A_475 = tpu.memref_slice %arg3[%dma_start3A_468, %add3A_466, %dma_start3A_474] : memref<4x4096x1024xf32, #tpu.memory_space<hbm>> -> memref<1x32x1024xf32, #tpu.memory_space<hbm>>
    %dma_start3A_476 = tpu.memref_squeeze %dma_start3A_475 : memref<1x32x1024xf32, #tpu.memory_space<hbm>> -> memref<32x1024xf32, #tpu.memory_space<hbm>>
    %dma_start3A_477 = tpu.memref_slice %arg6[%dma_start3A_469] : memref<3x!tpu.dma_semaphore, #tpu.memory_space<semaphore_mem>> -> memref<1x!tpu.dma_semaphore, #tpu.memory_space<semaphore_mem>>
    %dma_start3A_478 = tpu.memref_squeeze %dma_start3A_477 : memref<1x!tpu.dma_semaphore, #tpu.memory_space<semaphore_mem>> -> memref<!tpu.dma_semaphore, #tpu.memory_space<semaphore_mem>>
    %dma_start3A_479 = arith.constant 0 : i32
    %dma_start3A_480 = tpu.memref_slice %arg3[%dma_start3A_468, %add3A_466, %dma_start3A_479] : memref<4x4096x1024xf32, #tpu.memory_space<hbm>> -> memref<1x32x1024xf32, #tpu.memory_space<hbm>>
    %dma_start3A_481 = tpu.memref_squeeze %dma_start3A_480 : memref<1x32x1024xf32, #tpu.memory_space<hbm>> -> memref<32x1024xf32, #tpu.memory_space<hbm>>
    %dma_start3A_482 = arith.constant 0 : i32
    %dma_start3A_483 = arith.constant 0 : i32
    %dma_start3A_484 = tpu.memref_slice %arg4[%dma_start3A_467, %dma_start3A_482, %dma_start3A_483] : memref<3x32x1024xf32, #tpu.memory_space<vmem>> -> memref<1x32x1024xf32, #tpu.memory_space<vmem>>
    %dma_start3A_485 = tpu.memref_squeeze %dma_start3A_484 : memref<1x32x1024xf32, #tpu.memory_space<vmem>> -> memref<32x1024xf32, #tpu.memory_space<vmem>>
    tpu.enqueue_dma source(%dma_start3A_485 : memref<32x1024xf32, #tpu.memory_space<vmem>>) target(%dma_start3A_481 : memref<32x1024xf32, #tpu.memory_space<hbm>>) target_semaphore(%dma_start3A_478 : memref<!tpu.dma_semaphore, #tpu.memory_space<semaphore_mem>>)
    %add3A_486 = arith.constant 96 : i32
    %add3A_487 = arith.addi %mul3A_2, %add3A_486 : i32
    %dma_start3A_488 = arith.constant 0 : i32
    %dma_start3A_489 = arith.constant 1 : i32
    %dma_start3A_490 = arith.constant 0 : i32
    %dma_start3A_491 = arith.constant 0 : i32
    %dma_start3A_492 = arith.constant 0 : i32
    %dma_start3A_493 = tpu.memref_slice %arg4[%dma_start3A_488, %dma_start3A_491, %dma_start3A_492] : memref<3x32x1024xf32, #tpu.memory_space<vmem>> -> memref<1x32x1024xf32, #tpu.memory_space<vmem>>
    %dma_start3A_494 = tpu.memref_squeeze %dma_start3A_493 : memref<1x32x1024xf32, #tpu.memory_space<vmem>> -> memref<32x1024xf32, #tpu.memory_space<vmem>>
    %dma_start3A_495 = arith.constant 0 : i32
    %dma_start3A_496 = tpu.memref_slice %arg3[%dma_start3A_489, %add3A_487, %dma_start3A_495] : memref<4x4096x1024xf32, #tpu.memory_space<hbm>> -> memref<1x32x1024xf32, #tpu.memory_space<hbm>>
    %dma_start3A_497 = tpu.memref_squeeze %dma_start3A_496 : memref<1x32x1024xf32, #tpu.memory_space<hbm>> -> memref<32x1024xf32, #tpu.memory_space<hbm>>
    %dma_start3A_498 = tpu.memref_slice %arg6[%dma_start3A_490] : memref<3x!tpu.dma_semaphore, #tpu.memory_space<semaphore_mem>> -> memref<1x!tpu.dma_semaphore, #tpu.memory_space<semaphore_mem>>
    %dma_start3A_499 = tpu.memref_squeeze %dma_start3A_498 : memref<1x!tpu.dma_semaphore, #tpu.memory_space<semaphore_mem>> -> memref<!tpu.dma_semaphore, #tpu.memory_space<semaphore_mem>>
    %dma_start3A_500 = arith.constant 0 : i32
    %dma_start3A_501 = tpu.memref_slice %arg3[%dma_start3A_489, %add3A_487, %dma_start3A_500] : memref<4x4096x1024xf32, #tpu.memory_space<hbm>> -> memref<1x32x1024xf32, #tpu.memory_space<hbm>>
    %dma_start3A_502 = tpu.memref_squeeze %dma_start3A_501 : memref<1x32x1024xf32, #tpu.memory_space<hbm>> -> memref<32x1024xf32, #tpu.memory_space<hbm>>
    %dma_start3A_503 = arith.constant 0 : i32
    %dma_start3A_504 = arith.constant 0 : i32
    %dma_start3A_505 = tpu.memref_slice %arg4[%dma_start3A_488, %dma_start3A_503, %dma_start3A_504] : memref<3x32x1024xf32, #tpu.memory_space<vmem>> -> memref<1x32x1024xf32, #tpu.memory_space<vmem>>
    %dma_start3A_506 = tpu.memref_squeeze %dma_start3A_505 : memref<1x32x1024xf32, #tpu.memory_space<vmem>> -> memref<32x1024xf32, #tpu.memory_space<vmem>>
    tpu.enqueue_dma source(%dma_start3A_506 : memref<32x1024xf32, #tpu.memory_space<vmem>>) target(%dma_start3A_502 : memref<32x1024xf32, #tpu.memory_space<hbm>>) target_semaphore(%dma_start3A_499 : memref<!tpu.dma_semaphore, #tpu.memory_space<semaphore_mem>>)
    %add3A_507 = arith.constant 96 : i32
    %add3A_508 = arith.addi %mul3A_2, %add3A_507 : i32
    %dma_start3A_509 = arith.constant 0 : i32
    %dma_start3A_510 = arith.constant 2 : i32
    %dma_start3A_511 = arith.constant 0 : i32
    %dma_start3A_512 = arith.constant 0 : i32
    %dma_start3A_513 = arith.constant 0 : i32
    %dma_start3A_514 = tpu.memref_slice %arg4[%dma_start3A_509, %dma_start3A_512, %dma_start3A_513] : memref<3x32x1024xf32, #tpu.memory_space<vmem>> -> memref<1x32x1024xf32, #tpu.memory_space<vmem>>
    %dma_start3A_515 = tpu.memref_squeeze %dma_start3A_514 : memref<1x32x1024xf32, #tpu.memory_space<vmem>> -> memref<32x1024xf32, #tpu.memory_space<vmem>>
    %dma_start3A_516 = arith.constant 0 : i32
    %dma_start3A_517 = tpu.memref_slice %arg3[%dma_start3A_510, %add3A_508, %dma_start3A_516] : memref<4x4096x1024xf32, #tpu.memory_space<hbm>> -> memref<1x32x1024xf32, #tpu.memory_space<hbm>>
    %dma_start3A_518 = tpu.memref_squeeze %dma_start3A_517 : memref<1x32x1024xf32, #tpu.memory_space<hbm>> -> memref<32x1024xf32, #tpu.memory_space<hbm>>
    %dma_start3A_519 = tpu.memref_slice %arg6[%dma_start3A_511] : memref<3x!tpu.dma_semaphore, #tpu.memory_space<semaphore_mem>> -> memref<1x!tpu.dma_semaphore, #tpu.memory_space<semaphore_mem>>
    %dma_start3A_520 = tpu.memref_squeeze %dma_start3A_519 : memref<1x!tpu.dma_semaphore, #tpu.memory_space<semaphore_mem>> -> memref<!tpu.dma_semaphore, #tpu.memory_space<semaphore_mem>>
    %dma_start3A_521 = arith.constant 0 : i32
    %dma_start3A_522 = tpu.memref_slice %arg3[%dma_start3A_510, %add3A_508, %dma_start3A_521] : memref<4x4096x1024xf32, #tpu.memory_space<hbm>> -> memref<1x32x1024xf32, #tpu.memory_space<hbm>>
    %dma_start3A_523 = tpu.memref_squeeze %dma_start3A_522 : memref<1x32x1024xf32, #tpu.memory_space<hbm>> -> memref<32x1024xf32, #tpu.memory_space<hbm>>
    %dma_start3A_524 = arith.constant 0 : i32
    %dma_start3A_525 = arith.constant 0 : i32
    %dma_start3A_526 = tpu.memref_slice %arg4[%dma_start3A_509, %dma_start3A_524, %dma_start3A_525] : memref<3x32x1024xf32, #tpu.memory_space<vmem>> -> memref<1x32x1024xf32, #tpu.memory_space<vmem>>
    %dma_start3A_527 = tpu.memref_squeeze %dma_start3A_526 : memref<1x32x1024xf32, #tpu.memory_space<vmem>> -> memref<32x1024xf32, #tpu.memory_space<vmem>>
    tpu.enqueue_dma source(%dma_start3A_527 : memref<32x1024xf32, #tpu.memory_space<vmem>>) target(%dma_start3A_523 : memref<32x1024xf32, #tpu.memory_space<hbm>>) target_semaphore(%dma_start3A_520 : memref<!tpu.dma_semaphore, #tpu.memory_space<semaphore_mem>>)
    %add3A_528 = arith.constant 96 : i32
    %add3A_529 = arith.addi %mul3A_2, %add3A_528 : i32
    %dma_start3A_530 = arith.constant 0 : i32
    %dma_start3A_531 = arith.constant 3 : i32
    %dma_start3A_532 = arith.constant 0 : i32
    %dma_start3A_533 = arith.constant 0 : i32
    %dma_start3A_534 = arith.constant 0 : i32
    %dma_start3A_535 = tpu.memref_slice %arg4[%dma_start3A_530, %dma_start3A_533, %dma_start3A_534] : memref<3x32x1024xf32, #tpu.memory_space<vmem>> -> memref<1x32x1024xf32, #tpu.memory_space<vmem>>
    %dma_start3A_536 = tpu.memref_squeeze %dma_start3A_535 : memref<1x32x1024xf32, #tpu.memory_space<vmem>> -> memref<32x1024xf32, #tpu.memory_space<vmem>>
    %dma_start3A_537 = arith.constant 0 : i32
    %dma_start3A_538 = tpu.memref_slice %arg3[%dma_start3A_531, %add3A_529, %dma_start3A_537] : memref<4x4096x1024xf32, #tpu.memory_space<hbm>> -> memref<1x32x1024xf32, #tpu.memory_space<hbm>>
    %dma_start3A_539 = tpu.memref_squeeze %dma_start3A_538 : memref<1x32x1024xf32, #tpu.memory_space<hbm>> -> memref<32x1024xf32, #tpu.memory_space<hbm>>
    %dma_start3A_540 = tpu.memref_slice %arg6[%dma_start3A_532] : memref<3x!tpu.dma_semaphore, #tpu.memory_space<semaphore_mem>> -> memref<1x!tpu.dma_semaphore, #tpu.memory_space<semaphore_mem>>
    %dma_start3A_541 = tpu.memref_squeeze %dma_start3A_540 : memref<1x!tpu.dma_semaphore, #tpu.memory_space<semaphore_mem>> -> memref<!tpu.dma_semaphore, #tpu.memory_space<semaphore_mem>>
    %dma_start3A_542 = arith.constant 0 : i32
    %dma_start3A_543 = tpu.memref_slice %arg3[%dma_start3A_531, %add3A_529, %dma_start3A_542] : memref<4x4096x1024xf32, #tpu.memory_space<hbm>> -> memref<1x32x1024xf32, #tpu.memory_space<hbm>>
    %dma_start3A_544 = tpu.memref_squeeze %dma_start3A_543 : memref<1x32x1024xf32, #tpu.memory_space<hbm>> -> memref<32x1024xf32, #tpu.memory_space<hbm>>
    %dma_start3A_545 = arith.constant 0 : i32
    %dma_start3A_546 = arith.constant 0 : i32
    %dma_start3A_547 = tpu.memref_slice %arg4[%dma_start3A_530, %dma_start3A_545, %dma_start3A_546] : memref<3x32x1024xf32, #tpu.memory_space<vmem>> -> memref<1x32x1024xf32, #tpu.memory_space<vmem>>
    %dma_start3A_548 = tpu.memref_squeeze %dma_start3A_547 : memref<1x32x1024xf32, #tpu.memory_space<vmem>> -> memref<32x1024xf32, #tpu.memory_space<vmem>>
    tpu.enqueue_dma source(%dma_start3A_548 : memref<32x1024xf32, #tpu.memory_space<vmem>>) target(%dma_start3A_544 : memref<32x1024xf32, #tpu.memory_space<hbm>>) target_semaphore(%dma_start3A_541 : memref<!tpu.dma_semaphore, #tpu.memory_space<semaphore_mem>>)
    %dma_wait3A_549 = arith.constant 1 : i32
    %dma_wait3A_550 = arith.constant 0 : i32
    %dma_wait3A_551 = arith.constant 1 : i32
    %dma_wait3A_552 = arith.constant 0 : i32
    %dma_wait3A_553 = arith.constant 0 : i32
    %dma_wait3A_554 = tpu.memref_slice %arg4[%dma_wait3A_549, %dma_wait3A_552, %dma_wait3A_553] : memref<3x32x1024xf32, #tpu.memory_space<vmem>> -> memref<1x32x1024xf32, #tpu.memory_space<vmem>>
    %dma_wait3A_555 = tpu.memref_squeeze %dma_wait3A_554 : memref<1x32x1024xf32, #tpu.memory_space<vmem>> -> memref<32x1024xf32, #tpu.memory_space<vmem>>
    %dma_wait3A_556 = arith.constant 0 : i32
    %dma_wait3A_557 = tpu.memref_slice %arg3[%dma_wait3A_550, %add3A_266, %dma_wait3A_556] : memref<4x4096x1024xf32, #tpu.memory_space<hbm>> -> memref<1x32x1024xf32, #tpu.memory_space<hbm>>
    %dma_wait3A_558 = tpu.memref_squeeze %dma_wait3A_557 : memref<1x32x1024xf32, #tpu.memory_space<hbm>> -> memref<32x1024xf32, #tpu.memory_space<hbm>>
    %dma_wait3A_559 = tpu.memref_slice %arg6[%dma_wait3A_551] : memref<3x!tpu.dma_semaphore, #tpu.memory_space<semaphore_mem>> -> memref<1x!tpu.dma_semaphore, #tpu.memory_space<semaphore_mem>>
    %dma_wait3A_560 = tpu.memref_squeeze %dma_wait3A_559 : memref<1x!tpu.dma_semaphore, #tpu.memory_space<semaphore_mem>> -> memref<!tpu.dma_semaphore, #tpu.memory_space<semaphore_mem>>
    %dma_wait3A_561 = arith.constant 0 : i32
    %dma_wait3A_562 = tpu.memref_slice %arg3[%dma_wait3A_550, %add3A_266, %dma_wait3A_561] : memref<4x4096x1024xf32, #tpu.memory_space<hbm>> -> memref<1x32x1024xf32, #tpu.memory_space<hbm>>
    %dma_wait3A_563 = tpu.memref_squeeze %dma_wait3A_562 : memref<1x32x1024xf32, #tpu.memory_space<hbm>> -> memref<32x1024xf32, #tpu.memory_space<hbm>>
    %dma_wait3A_564 = arith.constant 0 : i32
    %dma_wait3A_565 = arith.constant 0 : i32
    %dma_wait3A_566 = tpu.memref_slice %arg4[%dma_wait3A_549, %dma_wait3A_564, %dma_wait3A_565] : memref<3x32x1024xf32, #tpu.memory_space<vmem>> -> memref<1x32x1024xf32, #tpu.memory_space<vmem>>
    %dma_wait3A_567 = tpu.memref_squeeze %dma_wait3A_566 : memref<1x32x1024xf32, #tpu.memory_space<vmem>> -> memref<32x1024xf32, #tpu.memory_space<vmem>>
    tpu.wait_dma2 semaphore(%dma_wait3A_560 : memref<!tpu.dma_semaphore, #tpu.memory_space<semaphore_mem>>) src(%dma_wait3A_567 : memref<32x1024xf32, #tpu.memory_space<vmem>>) dst(%dma_wait3A_563 : memref<32x1024xf32, #tpu.memory_space<hbm>>)
    %dma_wait3A_568 = arith.constant 1 : i32
    %dma_wait3A_569 = arith.constant 1 : i32
    %dma_wait3A_570 = arith.constant 1 : i32
    %dma_wait3A_571 = arith.constant 0 : i32
    %dma_wait3A_572 = arith.constant 0 : i32
    %dma_wait3A_573 = tpu.memref_slice %arg4[%dma_wait3A_568, %dma_wait3A_571, %dma_wait3A_572] : memref<3x32x1024xf32, #tpu.memory_space<vmem>> -> memref<1x32x1024xf32, #tpu.memory_space<vmem>>
    %dma_wait3A_574 = tpu.memref_squeeze %dma_wait3A_573 : memref<1x32x1024xf32, #tpu.memory_space<vmem>> -> memref<32x1024xf32, #tpu.memory_space<vmem>>
    %dma_wait3A_575 = arith.constant 0 : i32
    %dma_wait3A_576 = tpu.memref_slice %arg3[%dma_wait3A_569, %add3A_287, %dma_wait3A_575] : memref<4x4096x1024xf32, #tpu.memory_space<hbm>> -> memref<1x32x1024xf32, #tpu.memory_space<hbm>>
    %dma_wait3A_577 = tpu.memref_squeeze %dma_wait3A_576 : memref<1x32x1024xf32, #tpu.memory_space<hbm>> -> memref<32x1024xf32, #tpu.memory_space<hbm>>
    %dma_wait3A_578 = tpu.memref_slice %arg6[%dma_wait3A_570] : memref<3x!tpu.dma_semaphore, #tpu.memory_space<semaphore_mem>> -> memref<1x!tpu.dma_semaphore, #tpu.memory_space<semaphore_mem>>
    %dma_wait3A_579 = tpu.memref_squeeze %dma_wait3A_578 : memref<1x!tpu.dma_semaphore, #tpu.memory_space<semaphore_mem>> -> memref<!tpu.dma_semaphore, #tpu.memory_space<semaphore_mem>>
    %dma_wait3A_580 = arith.constant 0 : i32
    %dma_wait3A_581 = tpu.memref_slice %arg3[%dma_wait3A_569, %add3A_287, %dma_wait3A_580] : memref<4x4096x1024xf32, #tpu.memory_space<hbm>> -> memref<1x32x1024xf32, #tpu.memory_space<hbm>>
    %dma_wait3A_582 = tpu.memref_squeeze %dma_wait3A_581 : memref<1x32x1024xf32, #tpu.memory_space<hbm>> -> memref<32x1024xf32, #tpu.memory_space<hbm>>
    %dma_wait3A_583 = arith.constant 0 : i32
    %dma_wait3A_584 = arith.constant 0 : i32
    %dma_wait3A_585 = tpu.memref_slice %arg4[%dma_wait3A_568, %dma_wait3A_583, %dma_wait3A_584] : memref<3x32x1024xf32, #tpu.memory_space<vmem>> -> memref<1x32x1024xf32, #tpu.memory_space<vmem>>
    %dma_wait3A_586 = tpu.memref_squeeze %dma_wait3A_585 : memref<1x32x1024xf32, #tpu.memory_space<vmem>> -> memref<32x1024xf32, #tpu.memory_space<vmem>>
    tpu.wait_dma2 semaphore(%dma_wait3A_579 : memref<!tpu.dma_semaphore, #tpu.memory_space<semaphore_mem>>) src(%dma_wait3A_586 : memref<32x1024xf32, #tpu.memory_space<vmem>>) dst(%dma_wait3A_582 : memref<32x1024xf32, #tpu.memory_space<hbm>>)
    %dma_wait3A_587 = arith.constant 1 : i32
    %dma_wait3A_588 = arith.constant 2 : i32
    %dma_wait3A_589 = arith.constant 1 : i32
    %dma_wait3A_590 = arith.constant 0 : i32
    %dma_wait3A_591 = arith.constant 0 : i32
    %dma_wait3A_592 = tpu.memref_slice %arg4[%dma_wait3A_587, %dma_wait3A_590, %dma_wait3A_591] : memref<3x32x1024xf32, #tpu.memory_space<vmem>> -> memref<1x32x1024xf32, #tpu.memory_space<vmem>>
    %dma_wait3A_593 = tpu.memref_squeeze %dma_wait3A_592 : memref<1x32x1024xf32, #tpu.memory_space<vmem>> -> memref<32x1024xf32, #tpu.memory_space<vmem>>
    %dma_wait3A_594 = arith.constant 0 : i32
    %dma_wait3A_595 = tpu.memref_slice %arg3[%dma_wait3A_588, %add3A_308, %dma_wait3A_594] : memref<4x4096x1024xf32, #tpu.memory_space<hbm>> -> memref<1x32x1024xf32, #tpu.memory_space<hbm>>
    %dma_wait3A_596 = tpu.memref_squeeze %dma_wait3A_595 : memref<1x32x1024xf32, #tpu.memory_space<hbm>> -> memref<32x1024xf32, #tpu.memory_space<hbm>>
    %dma_wait3A_597 = tpu.memref_slice %arg6[%dma_wait3A_589] : memref<3x!tpu.dma_semaphore, #tpu.memory_space<semaphore_mem>> -> memref<1x!tpu.dma_semaphore, #tpu.memory_space<semaphore_mem>>
    %dma_wait3A_598 = tpu.memref_squeeze %dma_wait3A_597 : memref<1x!tpu.dma_semaphore, #tpu.memory_space<semaphore_mem>> -> memref<!tpu.dma_semaphore, #tpu.memory_space<semaphore_mem>>
    %dma_wait3A_599 = arith.constant 0 : i32
    %dma_wait3A_600 = tpu.memref_slice %arg3[%dma_wait3A_588, %add3A_308, %dma_wait3A_599] : memref<4x4096x1024xf32, #tpu.memory_space<hbm>> -> memref<1x32x1024xf32, #tpu.memory_space<hbm>>
    %dma_wait3A_601 = tpu.memref_squeeze %dma_wait3A_600 : memref<1x32x1024xf32, #tpu.memory_space<hbm>> -> memref<32x1024xf32, #tpu.memory_space<hbm>>
    %dma_wait3A_602 = arith.constant 0 : i32
    %dma_wait3A_603 = arith.constant 0 : i32
    %dma_wait3A_604 = tpu.memref_slice %arg4[%dma_wait3A_587, %dma_wait3A_602, %dma_wait3A_603] : memref<3x32x1024xf32, #tpu.memory_space<vmem>> -> memref<1x32x1024xf32, #tpu.memory_space<vmem>>
    %dma_wait3A_605 = tpu.memref_squeeze %dma_wait3A_604 : memref<1x32x1024xf32, #tpu.memory_space<vmem>> -> memref<32x1024xf32, #tpu.memory_space<vmem>>
    tpu.wait_dma2 semaphore(%dma_wait3A_598 : memref<!tpu.dma_semaphore, #tpu.memory_space<semaphore_mem>>) src(%dma_wait3A_605 : memref<32x1024xf32, #tpu.memory_space<vmem>>) dst(%dma_wait3A_601 : memref<32x1024xf32, #tpu.memory_space<hbm>>)
    %dma_wait3A_606 = arith.constant 1 : i32
    %dma_wait3A_607 = arith.constant 3 : i32
    %dma_wait3A_608 = arith.constant 1 : i32
    %dma_wait3A_609 = arith.constant 0 : i32
    %dma_wait3A_610 = arith.constant 0 : i32
    %dma_wait3A_611 = tpu.memref_slice %arg4[%dma_wait3A_606, %dma_wait3A_609, %dma_wait3A_610] : memref<3x32x1024xf32, #tpu.memory_space<vmem>> -> memref<1x32x1024xf32, #tpu.memory_space<vmem>>
    %dma_wait3A_612 = tpu.memref_squeeze %dma_wait3A_611 : memref<1x32x1024xf32, #tpu.memory_space<vmem>> -> memref<32x1024xf32, #tpu.memory_space<vmem>>
    %dma_wait3A_613 = arith.constant 0 : i32
    %dma_wait3A_614 = tpu.memref_slice %arg3[%dma_wait3A_607, %add3A_329, %dma_wait3A_613] : memref<4x4096x1024xf32, #tpu.memory_space<hbm>> -> memref<1x32x1024xf32, #tpu.memory_space<hbm>>
    %dma_wait3A_615 = tpu.memref_squeeze %dma_wait3A_614 : memref<1x32x1024xf32, #tpu.memory_space<hbm>> -> memref<32x1024xf32, #tpu.memory_space<hbm>>
    %dma_wait3A_616 = tpu.memref_slice %arg6[%dma_wait3A_608] : memref<3x!tpu.dma_semaphore, #tpu.memory_space<semaphore_mem>> -> memref<1x!tpu.dma_semaphore, #tpu.memory_space<semaphore_mem>>
    %dma_wait3A_617 = tpu.memref_squeeze %dma_wait3A_616 : memref<1x!tpu.dma_semaphore, #tpu.memory_space<semaphore_mem>> -> memref<!tpu.dma_semaphore, #tpu.memory_space<semaphore_mem>>
    %dma_wait3A_618 = arith.constant 0 : i32
    %dma_wait3A_619 = tpu.memref_slice %arg3[%dma_wait3A_607, %add3A_329, %dma_wait3A_618] : memref<4x4096x1024xf32, #tpu.memory_space<hbm>> -> memref<1x32x1024xf32, #tpu.memory_space<hbm>>
    %dma_wait3A_620 = tpu.memref_squeeze %dma_wait3A_619 : memref<1x32x1024xf32, #tpu.memory_space<hbm>> -> memref<32x1024xf32, #tpu.memory_space<hbm>>
    %dma_wait3A_621 = arith.constant 0 : i32
    %dma_wait3A_622 = arith.constant 0 : i32
    %dma_wait3A_623 = tpu.memref_slice %arg4[%dma_wait3A_606, %dma_wait3A_621, %dma_wait3A_622] : memref<3x32x1024xf32, #tpu.memory_space<vmem>> -> memref<1x32x1024xf32, #tpu.memory_space<vmem>>
    %dma_wait3A_624 = tpu.memref_squeeze %dma_wait3A_623 : memref<1x32x1024xf32, #tpu.memory_space<vmem>> -> memref<32x1024xf32, #tpu.memory_space<vmem>>
    tpu.wait_dma2 semaphore(%dma_wait3A_617 : memref<!tpu.dma_semaphore, #tpu.memory_space<semaphore_mem>>) src(%dma_wait3A_624 : memref<32x1024xf32, #tpu.memory_space<vmem>>) dst(%dma_wait3A_620 : memref<32x1024xf32, #tpu.memory_space<hbm>>)
    %dma_wait3A_625 = arith.constant 2 : i32
    %dma_wait3A_626 = arith.constant 0 : i32
    %dma_wait3A_627 = arith.constant 2 : i32
    %dma_wait3A_628 = arith.constant 0 : i32
    %dma_wait3A_629 = arith.constant 0 : i32
    %dma_wait3A_630 = tpu.memref_slice %arg4[%dma_wait3A_625, %dma_wait3A_628, %dma_wait3A_629] : memref<3x32x1024xf32, #tpu.memory_space<vmem>> -> memref<1x32x1024xf32, #tpu.memory_space<vmem>>
    %dma_wait3A_631 = tpu.memref_squeeze %dma_wait3A_630 : memref<1x32x1024xf32, #tpu.memory_space<vmem>> -> memref<32x1024xf32, #tpu.memory_space<vmem>>
    %dma_wait3A_632 = arith.constant 0 : i32
    %dma_wait3A_633 = tpu.memref_slice %arg3[%dma_wait3A_626, %add3A_366, %dma_wait3A_632] : memref<4x4096x1024xf32, #tpu.memory_space<hbm>> -> memref<1x32x1024xf32, #tpu.memory_space<hbm>>
    %dma_wait3A_634 = tpu.memref_squeeze %dma_wait3A_633 : memref<1x32x1024xf32, #tpu.memory_space<hbm>> -> memref<32x1024xf32, #tpu.memory_space<hbm>>
    %dma_wait3A_635 = tpu.memref_slice %arg6[%dma_wait3A_627] : memref<3x!tpu.dma_semaphore, #tpu.memory_space<semaphore_mem>> -> memref<1x!tpu.dma_semaphore, #tpu.memory_space<semaphore_mem>>
    %dma_wait3A_636 = tpu.memref_squeeze %dma_wait3A_635 : memref<1x!tpu.dma_semaphore, #tpu.memory_space<semaphore_mem>> -> memref<!tpu.dma_semaphore, #tpu.memory_space<semaphore_mem>>
    %dma_wait3A_637 = arith.constant 0 : i32
    %dma_wait3A_638 = tpu.memref_slice %arg3[%dma_wait3A_626, %add3A_366, %dma_wait3A_637] : memref<4x4096x1024xf32, #tpu.memory_space<hbm>> -> memref<1x32x1024xf32, #tpu.memory_space<hbm>>
    %dma_wait3A_639 = tpu.memref_squeeze %dma_wait3A_638 : memref<1x32x1024xf32, #tpu.memory_space<hbm>> -> memref<32x1024xf32, #tpu.memory_space<hbm>>
    %dma_wait3A_640 = arith.constant 0 : i32
    %dma_wait3A_641 = arith.constant 0 : i32
    %dma_wait3A_642 = tpu.memref_slice %arg4[%dma_wait3A_625, %dma_wait3A_640, %dma_wait3A_641] : memref<3x32x1024xf32, #tpu.memory_space<vmem>> -> memref<1x32x1024xf32, #tpu.memory_space<vmem>>
    %dma_wait3A_643 = tpu.memref_squeeze %dma_wait3A_642 : memref<1x32x1024xf32, #tpu.memory_space<vmem>> -> memref<32x1024xf32, #tpu.memory_space<vmem>>
    tpu.wait_dma2 semaphore(%dma_wait3A_636 : memref<!tpu.dma_semaphore, #tpu.memory_space<semaphore_mem>>) src(%dma_wait3A_643 : memref<32x1024xf32, #tpu.memory_space<vmem>>) dst(%dma_wait3A_639 : memref<32x1024xf32, #tpu.memory_space<hbm>>)
    %dma_wait3A_644 = arith.constant 2 : i32
    %dma_wait3A_645 = arith.constant 1 : i32
    %dma_wait3A_646 = arith.constant 2 : i32
    %dma_wait3A_647 = arith.constant 0 : i32
    %dma_wait3A_648 = arith.constant 0 : i32
    %dma_wait3A_649 = tpu.memref_slice %arg4[%dma_wait3A_644, %dma_wait3A_647, %dma_wait3A_648] : memref<3x32x1024xf32, #tpu.memory_space<vmem>> -> memref<1x32x1024xf32, #tpu.memory_space<vmem>>
    %dma_wait3A_650 = tpu.memref_squeeze %dma_wait3A_649 : memref<1x32x1024xf32, #tpu.memory_space<vmem>> -> memref<32x1024xf32, #tpu.memory_space<vmem>>
    %dma_wait3A_651 = arith.constant 0 : i32
    %dma_wait3A_652 = tpu.memref_slice %arg3[%dma_wait3A_645, %add3A_387, %dma_wait3A_651] : memref<4x4096x1024xf32, #tpu.memory_space<hbm>> -> memref<1x32x1024xf32, #tpu.memory_space<hbm>>
    %dma_wait3A_653 = tpu.memref_squeeze %dma_wait3A_652 : memref<1x32x1024xf32, #tpu.memory_space<hbm>> -> memref<32x1024xf32, #tpu.memory_space<hbm>>
    %dma_wait3A_654 = tpu.memref_slice %arg6[%dma_wait3A_646] : memref<3x!tpu.dma_semaphore, #tpu.memory_space<semaphore_mem>> -> memref<1x!tpu.dma_semaphore, #tpu.memory_space<semaphore_mem>>
    %dma_wait3A_655 = tpu.memref_squeeze %dma_wait3A_654 : memref<1x!tpu.dma_semaphore, #tpu.memory_space<semaphore_mem>> -> memref<!tpu.dma_semaphore, #tpu.memory_space<semaphore_mem>>
    %dma_wait3A_656 = arith.constant 0 : i32
    %dma_wait3A_657 = tpu.memref_slice %arg3[%dma_wait3A_645, %add3A_387, %dma_wait3A_656] : memref<4x4096x1024xf32, #tpu.memory_space<hbm>> -> memref<1x32x1024xf32, #tpu.memory_space<hbm>>
    %dma_wait3A_658 = tpu.memref_squeeze %dma_wait3A_657 : memref<1x32x1024xf32, #tpu.memory_space<hbm>> -> memref<32x1024xf32, #tpu.memory_space<hbm>>
    %dma_wait3A_659 = arith.constant 0 : i32
    %dma_wait3A_660 = arith.constant 0 : i32
    %dma_wait3A_661 = tpu.memref_slice %arg4[%dma_wait3A_644, %dma_wait3A_659, %dma_wait3A_660] : memref<3x32x1024xf32, #tpu.memory_space<vmem>> -> memref<1x32x1024xf32, #tpu.memory_space<vmem>>
    %dma_wait3A_662 = tpu.memref_squeeze %dma_wait3A_661 : memref<1x32x1024xf32, #tpu.memory_space<vmem>> -> memref<32x1024xf32, #tpu.memory_space<vmem>>
    tpu.wait_dma2 semaphore(%dma_wait3A_655 : memref<!tpu.dma_semaphore, #tpu.memory_space<semaphore_mem>>) src(%dma_wait3A_662 : memref<32x1024xf32, #tpu.memory_space<vmem>>) dst(%dma_wait3A_658 : memref<32x1024xf32, #tpu.memory_space<hbm>>)
    %dma_wait3A_663 = arith.constant 2 : i32
    %dma_wait3A_664 = arith.constant 2 : i32
    %dma_wait3A_665 = arith.constant 2 : i32
    %dma_wait3A_666 = arith.constant 0 : i32
    %dma_wait3A_667 = arith.constant 0 : i32
    %dma_wait3A_668 = tpu.memref_slice %arg4[%dma_wait3A_663, %dma_wait3A_666, %dma_wait3A_667] : memref<3x32x1024xf32, #tpu.memory_space<vmem>> -> memref<1x32x1024xf32, #tpu.memory_space<vmem>>
    %dma_wait3A_669 = tpu.memref_squeeze %dma_wait3A_668 : memref<1x32x1024xf32, #tpu.memory_space<vmem>> -> memref<32x1024xf32, #tpu.memory_space<vmem>>
    %dma_wait3A_670 = arith.constant 0 : i32
    %dma_wait3A_671 = tpu.memref_slice %arg3[%dma_wait3A_664, %add3A_408, %dma_wait3A_670] : memref<4x4096x1024xf32, #tpu.memory_space<hbm>> -> memref<1x32x1024xf32, #tpu.memory_space<hbm>>
    %dma_wait3A_672 = tpu.memref_squeeze %dma_wait3A_671 : memref<1x32x1024xf32, #tpu.memory_space<hbm>> -> memref<32x1024xf32, #tpu.memory_space<hbm>>
    %dma_wait3A_673 = tpu.memref_slice %arg6[%dma_wait3A_665] : memref<3x!tpu.dma_semaphore, #tpu.memory_space<semaphore_mem>> -> memref<1x!tpu.dma_semaphore, #tpu.memory_space<semaphore_mem>>
    %dma_wait3A_674 = tpu.memref_squeeze %dma_wait3A_673 : memref<1x!tpu.dma_semaphore, #tpu.memory_space<semaphore_mem>> -> memref<!tpu.dma_semaphore, #tpu.memory_space<semaphore_mem>>
    %dma_wait3A_675 = arith.constant 0 : i32
    %dma_wait3A_676 = tpu.memref_slice %arg3[%dma_wait3A_664, %add3A_408, %dma_wait3A_675] : memref<4x4096x1024xf32, #tpu.memory_space<hbm>> -> memref<1x32x1024xf32, #tpu.memory_space<hbm>>
    %dma_wait3A_677 = tpu.memref_squeeze %dma_wait3A_676 : memref<1x32x1024xf32, #tpu.memory_space<hbm>> -> memref<32x1024xf32, #tpu.memory_space<hbm>>
    %dma_wait3A_678 = arith.constant 0 : i32
    %dma_wait3A_679 = arith.constant 0 : i32
    %dma_wait3A_680 = tpu.memref_slice %arg4[%dma_wait3A_663, %dma_wait3A_678, %dma_wait3A_679] : memref<3x32x1024xf32, #tpu.memory_space<vmem>> -> memref<1x32x1024xf32, #tpu.memory_space<vmem>>
    %dma_wait3A_681 = tpu.memref_squeeze %dma_wait3A_680 : memref<1x32x1024xf32, #tpu.memory_space<vmem>> -> memref<32x1024xf32, #tpu.memory_space<vmem>>
    tpu.wait_dma2 semaphore(%dma_wait3A_674 : memref<!tpu.dma_semaphore, #tpu.memory_space<semaphore_mem>>) src(%dma_wait3A_681 : memref<32x1024xf32, #tpu.memory_space<vmem>>) dst(%dma_wait3A_677 : memref<32x1024xf32, #tpu.memory_space<hbm>>)
    %dma_wait3A_682 = arith.constant 2 : i32
    %dma_wait3A_683 = arith.constant 3 : i32
    %dma_wait3A_684 = arith.constant 2 : i32
    %dma_wait3A_685 = arith.constant 0 : i32
    %dma_wait3A_686 = arith.constant 0 : i32
    %dma_wait3A_687 = tpu.memref_slice %arg4[%dma_wait3A_682, %dma_wait3A_685, %dma_wait3A_686] : memref<3x32x1024xf32, #tpu.memory_space<vmem>> -> memref<1x32x1024xf32, #tpu.memory_space<vmem>>
    %dma_wait3A_688 = tpu.memref_squeeze %dma_wait3A_687 : memref<1x32x1024xf32, #tpu.memory_space<vmem>> -> memref<32x1024xf32, #tpu.memory_space<vmem>>
    %dma_wait3A_689 = arith.constant 0 : i32
    %dma_wait3A_690 = tpu.memref_slice %arg3[%dma_wait3A_683, %add3A_429, %dma_wait3A_689] : memref<4x4096x1024xf32, #tpu.memory_space<hbm>> -> memref<1x32x1024xf32, #tpu.memory_space<hbm>>
    %dma_wait3A_691 = tpu.memref_squeeze %dma_wait3A_690 : memref<1x32x1024xf32, #tpu.memory_space<hbm>> -> memref<32x1024xf32, #tpu.memory_space<hbm>>
    %dma_wait3A_692 = tpu.memref_slice %arg6[%dma_wait3A_684] : memref<3x!tpu.dma_semaphore, #tpu.memory_space<semaphore_mem>> -> memref<1x!tpu.dma_semaphore, #tpu.memory_space<semaphore_mem>>
    %dma_wait3A_693 = tpu.memref_squeeze %dma_wait3A_692 : memref<1x!tpu.dma_semaphore, #tpu.memory_space<semaphore_mem>> -> memref<!tpu.dma_semaphore, #tpu.memory_space<semaphore_mem>>
    %dma_wait3A_694 = arith.constant 0 : i32
    %dma_wait3A_695 = tpu.memref_slice %arg3[%dma_wait3A_683, %add3A_429, %dma_wait3A_694] : memref<4x4096x1024xf32, #tpu.memory_space<hbm>> -> memref<1x32x1024xf32, #tpu.memory_space<hbm>>
    %dma_wait3A_696 = tpu.memref_squeeze %dma_wait3A_695 : memref<1x32x1024xf32, #tpu.memory_space<hbm>> -> memref<32x1024xf32, #tpu.memory_space<hbm>>
    %dma_wait3A_697 = arith.constant 0 : i32
    %dma_wait3A_698 = arith.constant 0 : i32
    %dma_wait3A_699 = tpu.memref_slice %arg4[%dma_wait3A_682, %dma_wait3A_697, %dma_wait3A_698] : memref<3x32x1024xf32, #tpu.memory_space<vmem>> -> memref<1x32x1024xf32, #tpu.memory_space<vmem>>
    %dma_wait3A_700 = tpu.memref_squeeze %dma_wait3A_699 : memref<1x32x1024xf32, #tpu.memory_space<vmem>> -> memref<32x1024xf32, #tpu.memory_space<vmem>>
    tpu.wait_dma2 semaphore(%dma_wait3A_693 : memref<!tpu.dma_semaphore, #tpu.memory_space<semaphore_mem>>) src(%dma_wait3A_700 : memref<32x1024xf32, #tpu.memory_space<vmem>>) dst(%dma_wait3A_696 : memref<32x1024xf32, #tpu.memory_space<hbm>>)
    %dma_wait3A_701 = arith.constant 0 : i32
    %dma_wait3A_702 = arith.constant 0 : i32
    %dma_wait3A_703 = arith.constant 0 : i32
    %dma_wait3A_704 = arith.constant 0 : i32
    %dma_wait3A_705 = arith.constant 0 : i32
    %dma_wait3A_706 = tpu.memref_slice %arg4[%dma_wait3A_701, %dma_wait3A_704, %dma_wait3A_705] : memref<3x32x1024xf32, #tpu.memory_space<vmem>> -> memref<1x32x1024xf32, #tpu.memory_space<vmem>>
    %dma_wait3A_707 = tpu.memref_squeeze %dma_wait3A_706 : memref<1x32x1024xf32, #tpu.memory_space<vmem>> -> memref<32x1024xf32, #tpu.memory_space<vmem>>
    %dma_wait3A_708 = arith.constant 0 : i32
    %dma_wait3A_709 = tpu.memref_slice %arg3[%dma_wait3A_702, %add3A_466, %dma_wait3A_708] : memref<4x4096x1024xf32, #tpu.memory_space<hbm>> -> memref<1x32x1024xf32, #tpu.memory_space<hbm>>
    %dma_wait3A_710 = tpu.memref_squeeze %dma_wait3A_709 : memref<1x32x1024xf32, #tpu.memory_space<hbm>> -> memref<32x1024xf32, #tpu.memory_space<hbm>>
    %dma_wait3A_711 = tpu.memref_slice %arg6[%dma_wait3A_703] : memref<3x!tpu.dma_semaphore, #tpu.memory_space<semaphore_mem>> -> memref<1x!tpu.dma_semaphore, #tpu.memory_space<semaphore_mem>>
    %dma_wait3A_712 = tpu.memref_squeeze %dma_wait3A_711 : memref<1x!tpu.dma_semaphore, #tpu.memory_space<semaphore_mem>> -> memref<!tpu.dma_semaphore, #tpu.memory_space<semaphore_mem>>
    %dma_wait3A_713 = arith.constant 0 : i32
    %dma_wait3A_714 = tpu.memref_slice %arg3[%dma_wait3A_702, %add3A_466, %dma_wait3A_713] : memref<4x4096x1024xf32, #tpu.memory_space<hbm>> -> memref<1x32x1024xf32, #tpu.memory_space<hbm>>
    %dma_wait3A_715 = tpu.memref_squeeze %dma_wait3A_714 : memref<1x32x1024xf32, #tpu.memory_space<hbm>> -> memref<32x1024xf32, #tpu.memory_space<hbm>>
    %dma_wait3A_716 = arith.constant 0 : i32
    %dma_wait3A_717 = arith.constant 0 : i32
    %dma_wait3A_718 = tpu.memref_slice %arg4[%dma_wait3A_701, %dma_wait3A_716, %dma_wait3A_717] : memref<3x32x1024xf32, #tpu.memory_space<vmem>> -> memref<1x32x1024xf32, #tpu.memory_space<vmem>>
    %dma_wait3A_719 = tpu.memref_squeeze %dma_wait3A_718 : memref<1x32x1024xf32, #tpu.memory_space<vmem>> -> memref<32x1024xf32, #tpu.memory_space<vmem>>
    tpu.wait_dma2 semaphore(%dma_wait3A_712 : memref<!tpu.dma_semaphore, #tpu.memory_space<semaphore_mem>>) src(%dma_wait3A_719 : memref<32x1024xf32, #tpu.memory_space<vmem>>) dst(%dma_wait3A_715 : memref<32x1024xf32, #tpu.memory_space<hbm>>)
    %dma_wait3A_720 = arith.constant 0 : i32
    %dma_wait3A_721 = arith.constant 1 : i32
    %dma_wait3A_722 = arith.constant 0 : i32
    %dma_wait3A_723 = arith.constant 0 : i32
    %dma_wait3A_724 = arith.constant 0 : i32
    %dma_wait3A_725 = tpu.memref_slice %arg4[%dma_wait3A_720, %dma_wait3A_723, %dma_wait3A_724] : memref<3x32x1024xf32, #tpu.memory_space<vmem>> -> memref<1x32x1024xf32, #tpu.memory_space<vmem>>
    %dma_wait3A_726 = tpu.memref_squeeze %dma_wait3A_725 : memref<1x32x1024xf32, #tpu.memory_space<vmem>> -> memref<32x1024xf32, #tpu.memory_space<vmem>>
    %dma_wait3A_727 = arith.constant 0 : i32
    %dma_wait3A_728 = tpu.memref_slice %arg3[%dma_wait3A_721, %add3A_487, %dma_wait3A_727] : memref<4x4096x1024xf32, #tpu.memory_space<hbm>> -> memref<1x32x1024xf32, #tpu.memory_space<hbm>>
    %dma_wait3A_729 = tpu.memref_squeeze %dma_wait3A_728 : memref<1x32x1024xf32, #tpu.memory_space<hbm>> -> memref<32x1024xf32, #tpu.memory_space<hbm>>
    %dma_wait3A_730 = tpu.memref_slice %arg6[%dma_wait3A_722] : memref<3x!tpu.dma_semaphore, #tpu.memory_space<semaphore_mem>> -> memref<1x!tpu.dma_semaphore, #tpu.memory_space<semaphore_mem>>
    %dma_wait3A_731 = tpu.memref_squeeze %dma_wait3A_730 : memref<1x!tpu.dma_semaphore, #tpu.memory_space<semaphore_mem>> -> memref<!tpu.dma_semaphore, #tpu.memory_space<semaphore_mem>>
    %dma_wait3A_732 = arith.constant 0 : i32
    %dma_wait3A_733 = tpu.memref_slice %arg3[%dma_wait3A_721, %add3A_487, %dma_wait3A_732] : memref<4x4096x1024xf32, #tpu.memory_space<hbm>> -> memref<1x32x1024xf32, #tpu.memory_space<hbm>>
    %dma_wait3A_734 = tpu.memref_squeeze %dma_wait3A_733 : memref<1x32x1024xf32, #tpu.memory_space<hbm>> -> memref<32x1024xf32, #tpu.memory_space<hbm>>
    %dma_wait3A_735 = arith.constant 0 : i32
    %dma_wait3A_736 = arith.constant 0 : i32
    %dma_wait3A_737 = tpu.memref_slice %arg4[%dma_wait3A_720, %dma_wait3A_735, %dma_wait3A_736] : memref<3x32x1024xf32, #tpu.memory_space<vmem>> -> memref<1x32x1024xf32, #tpu.memory_space<vmem>>
    %dma_wait3A_738 = tpu.memref_squeeze %dma_wait3A_737 : memref<1x32x1024xf32, #tpu.memory_space<vmem>> -> memref<32x1024xf32, #tpu.memory_space<vmem>>
    tpu.wait_dma2 semaphore(%dma_wait3A_731 : memref<!tpu.dma_semaphore, #tpu.memory_space<semaphore_mem>>) src(%dma_wait3A_738 : memref<32x1024xf32, #tpu.memory_space<vmem>>) dst(%dma_wait3A_734 : memref<32x1024xf32, #tpu.memory_space<hbm>>)
    %dma_wait3A_739 = arith.constant 0 : i32
    %dma_wait3A_740 = arith.constant 2 : i32
    %dma_wait3A_741 = arith.constant 0 : i32
    %dma_wait3A_742 = arith.constant 0 : i32
    %dma_wait3A_743 = arith.constant 0 : i32
    %dma_wait3A_744 = tpu.memref_slice %arg4[%dma_wait3A_739, %dma_wait3A_742, %dma_wait3A_743] : memref<3x32x1024xf32, #tpu.memory_space<vmem>> -> memref<1x32x1024xf32, #tpu.memory_space<vmem>>
    %dma_wait3A_745 = tpu.memref_squeeze %dma_wait3A_744 : memref<1x32x1024xf32, #tpu.memory_space<vmem>> -> memref<32x1024xf32, #tpu.memory_space<vmem>>
    %dma_wait3A_746 = arith.constant 0 : i32
    %dma_wait3A_747 = tpu.memref_slice %arg3[%dma_wait3A_740, %add3A_508, %dma_wait3A_746] : memref<4x4096x1024xf32, #tpu.memory_space<hbm>> -> memref<1x32x1024xf32, #tpu.memory_space<hbm>>
    %dma_wait3A_748 = tpu.memref_squeeze %dma_wait3A_747 : memref<1x32x1024xf32, #tpu.memory_space<hbm>> -> memref<32x1024xf32, #tpu.memory_space<hbm>>
    %dma_wait3A_749 = tpu.memref_slice %arg6[%dma_wait3A_741] : memref<3x!tpu.dma_semaphore, #tpu.memory_space<semaphore_mem>> -> memref<1x!tpu.dma_semaphore, #tpu.memory_space<semaphore_mem>>
    %dma_wait3A_750 = tpu.memref_squeeze %dma_wait3A_749 : memref<1x!tpu.dma_semaphore, #tpu.memory_space<semaphore_mem>> -> memref<!tpu.dma_semaphore, #tpu.memory_space<semaphore_mem>>
    %dma_wait3A_751 = arith.constant 0 : i32
    %dma_wait3A_752 = tpu.memref_slice %arg3[%dma_wait3A_740, %add3A_508, %dma_wait3A_751] : memref<4x4096x1024xf32, #tpu.memory_space<hbm>> -> memref<1x32x1024xf32, #tpu.memory_space<hbm>>
    %dma_wait3A_753 = tpu.memref_squeeze %dma_wait3A_752 : memref<1x32x1024xf32, #tpu.memory_space<hbm>> -> memref<32x1024xf32, #tpu.memory_space<hbm>>
    %dma_wait3A_754 = arith.constant 0 : i32
    %dma_wait3A_755 = arith.constant 0 : i32
    %dma_wait3A_756 = tpu.memref_slice %arg4[%dma_wait3A_739, %dma_wait3A_754, %dma_wait3A_755] : memref<3x32x1024xf32, #tpu.memory_space<vmem>> -> memref<1x32x1024xf32, #tpu.memory_space<vmem>>
    %dma_wait3A_757 = tpu.memref_squeeze %dma_wait3A_756 : memref<1x32x1024xf32, #tpu.memory_space<vmem>> -> memref<32x1024xf32, #tpu.memory_space<vmem>>
    tpu.wait_dma2 semaphore(%dma_wait3A_750 : memref<!tpu.dma_semaphore, #tpu.memory_space<semaphore_mem>>) src(%dma_wait3A_757 : memref<32x1024xf32, #tpu.memory_space<vmem>>) dst(%dma_wait3A_753 : memref<32x1024xf32, #tpu.memory_space<hbm>>)
    %dma_wait3A_758 = arith.constant 0 : i32
    %dma_wait3A_759 = arith.constant 3 : i32
    %dma_wait3A_760 = arith.constant 0 : i32
    %dma_wait3A_761 = arith.constant 0 : i32
    %dma_wait3A_762 = arith.constant 0 : i32
    %dma_wait3A_763 = tpu.memref_slice %arg4[%dma_wait3A_758, %dma_wait3A_761, %dma_wait3A_762] : memref<3x32x1024xf32, #tpu.memory_space<vmem>> -> memref<1x32x1024xf32, #tpu.memory_space<vmem>>
    %dma_wait3A_764 = tpu.memref_squeeze %dma_wait3A_763 : memref<1x32x1024xf32, #tpu.memory_space<vmem>> -> memref<32x1024xf32, #tpu.memory_space<vmem>>
    %dma_wait3A_765 = arith.constant 0 : i32
    %dma_wait3A_766 = tpu.memref_slice %arg3[%dma_wait3A_759, %add3A_529, %dma_wait3A_765] : memref<4x4096x1024xf32, #tpu.memory_space<hbm>> -> memref<1x32x1024xf32, #tpu.memory_space<hbm>>
    %dma_wait3A_767 = tpu.memref_squeeze %dma_wait3A_766 : memref<1x32x1024xf32, #tpu.memory_space<hbm>> -> memref<32x1024xf32, #tpu.memory_space<hbm>>
    %dma_wait3A_768 = tpu.memref_slice %arg6[%dma_wait3A_760] : memref<3x!tpu.dma_semaphore, #tpu.memory_space<semaphore_mem>> -> memref<1x!tpu.dma_semaphore, #tpu.memory_space<semaphore_mem>>
    %dma_wait3A_769 = tpu.memref_squeeze %dma_wait3A_768 : memref<1x!tpu.dma_semaphore, #tpu.memory_space<semaphore_mem>> -> memref<!tpu.dma_semaphore, #tpu.memory_space<semaphore_mem>>
    %dma_wait3A_770 = arith.constant 0 : i32
    %dma_wait3A_771 = tpu.memref_slice %arg3[%dma_wait3A_759, %add3A_529, %dma_wait3A_770] : memref<4x4096x1024xf32, #tpu.memory_space<hbm>> -> memref<1x32x1024xf32, #tpu.memory_space<hbm>>
    %dma_wait3A_772 = tpu.memref_squeeze %dma_wait3A_771 : memref<1x32x1024xf32, #tpu.memory_space<hbm>> -> memref<32x1024xf32, #tpu.memory_space<hbm>>
    %dma_wait3A_773 = arith.constant 0 : i32
    %dma_wait3A_774 = arith.constant 0 : i32
    %dma_wait3A_775 = tpu.memref_slice %arg4[%dma_wait3A_758, %dma_wait3A_773, %dma_wait3A_774] : memref<3x32x1024xf32, #tpu.memory_space<vmem>> -> memref<1x32x1024xf32, #tpu.memory_space<vmem>>
    %dma_wait3A_776 = tpu.memref_squeeze %dma_wait3A_775 : memref<1x32x1024xf32, #tpu.memory_space<vmem>> -> memref<32x1024xf32, #tpu.memory_space<vmem>>
    tpu.wait_dma2 semaphore(%dma_wait3A_769 : memref<!tpu.dma_semaphore, #tpu.memory_space<semaphore_mem>>) src(%dma_wait3A_776 : memref<32x1024xf32, #tpu.memory_space<vmem>>) dst(%dma_wait3A_772 : memref<32x1024xf32, #tpu.memory_space<hbm>>)
    return
  }
}

</mosaic_0001>

<sc_bundles>
// kernel: kernel.3.cloned.1.call-start
scs
__scs_entry_jumppad:
0x0: {  	(pc) =	sbr.rel $0x88, $3  }
0x1: {  	(tag) =	ssettag $0x0;
	lr =	simm.s32 $0x1  }
0x2: {  	[smem:$0x3FA0] =	sst lr;
	_ =	strace $0xD0000000  }
0x3: {  	_ = 	snop  }
0x4: {  	_ = 	snop  }
0x5: {  	_ = 	snop  }
0x6: {  	_ = 	snop  }
0x7: {  	_ = 	snop  }
__scs_overlays_trampoline_lowered:
0x8: {  	[smem:$0x3FAF] =	sst s0  }
0x9: {  	[smem:$0x3FB0] =	sst s1  }
0xa: {  	[smem:$0x3FB1] =	sst s2  }
0xb: {  	[smem:$0x3FB2] =	sst s3  }
0xc: {  	[smem:$0x3FB3] =	sst s4  }
0xd: {  	[smem:$0x3FB4] =	sst s5  }
0xe: {  	[smem:$0x3FB5] =	sst s6  }
0xf: {  	[smem:$0x3FB6] =	sst s7  }
0x10: {  	[smem:$0x3FB7] =	sst s8  }
0x11: {  	[smem:$0x3FB8] =	sst s9;
	s0 =	simm.s32 @!p0 $0x0  }
0x12: {  	s1 =	sld [smem:$0x3F9E];
	s0 =	simm.s32 @p0 $0x1  }
0x13: {  	[smem:$0x3FB9] =	sst s0;
	s0 =	simm.s32 @!p1 $0x0  }
0x14: {  	s2 =	sld [smem:$0x3F9D];
	s0 =	simm.s32 @p1 $0x1  }
0x15: {  	[smem:$0x3FBA] =	sst s0;
	s0 =	simm.s32 @!p2 $0x0  }
0x16: {  	s3 =	sld [smem:$0x3FDB];
	s0 =	simm.s32 @p2 $0x1  }
0x17: {  	s4 =	simm.s32 $0x1BF5;
	[smem:$0x3FBC] =	sst s0  }
0x18: {  	s0 =	sld [smem:$0x3F9F];
	_ =	swait.ge [sflag:s4], $0x0  }
0x19: {  	s7 =	sld [smem:$0x3FA0]  }
0x1a: {  	s8 =	sadd.s32 $0xFFFFE003, lr  }
0x1b: {  	s9 =	sadd.s32 $0xFFFFFEF7, lr;
	s5 =	simm.s32 $0xFFFFFFFF;
	p2 =	slt.u32 s8, $0xFFFFF086  }
0x1c: {  	p1 =	slt.u32 s9, $0xF7A;
	s5 =	simm.s32 @!p2 $0x0  }
0x1d: {  	s5 =	simm.s32 @p1 $0x1;
	p0 =	seq.s32 s7, s2  }
0x1e: {  	s7 =	smul.u32 @!p0 $0xF7A, s2;
	p2 =	seq.s32 @!p0 s5, $0x0  }
0x1f: {  	s9 =	smul.u32 $0xF7A, s1;
	s8 =	simm.s32 @!p0 $0x1BF5;
	p2 =	por !p2, p0  }
0x20: {  	[sflag:s8] =	ssyncset.s32 @!p0 $0xFFFFF086;
	s6 =	sadd.s32 @!p0 s3, s7;
	s7 =	simm.s32 @!p0 $0x108  }
0x21: {  	s3 =	sadd.s32 s3, s9;
	s6 =	sadd.s32 @!p0 $0x88, s6;
	s7 =	simm.s32 @p2 $0x1082  }
0x22: {  	[simem:s7], [sflag:s8] =	dma.local @!p0 [hbm:s6], $0xF7A  }
0x23: {  	s9 =	sor.u32 $0xD0000000, s2;
	s6 =	simm.s32 $0x108;
	_ =	swait.ge @!p0 [sflag:s8], $0x0  }
0x24: {  	s3 =	sadd.s32 $0x88, s3;
	s6 =	simm.s32 @!p1 $0x1082;
	[sflag:s4] =	ssyncset.s32 $0xFFFFF086  }
0x25: {  	[simem:s6], [sflag:s4] =	dma.local [hbm:s3], $0xF7A  }
0x26: {  	[smem:$0x3FA0] =	sst s1;
	(tag) =	ssettag s2;
	_ =	strace s9  }
0x27: {  	s1 =	sld [smem:$0x3FB0]  }
0x28: {  	s2 =	sld [smem:$0x3FB1]  }
0x29: {  	s4 =	sld [smem:$0x3FB3]  }
0x2a: {  	p0 =	seq.s32 s5, $0x0;
	s5 =	sld [smem:$0x3FB4]  }
0x2b: {  	s6 =	sld [smem:$0x3FB5]  }
0x2c: {  	s7 =	sld [smem:$0x3FB6]  }
0x2d: {  	s3 =	simm.s32 $0x108;
	s8 =	sld [smem:$0x3FB7]  }
0x2e: {  	s3 =	simm.s32 @!p0 $0x1082;
	s9 =	sld [smem:$0x3FB8]  }
0x2f: {  	lr =	sadd.s32 s0, s3;
	s0 =	sld [smem:$0x3FAF]  }
0x30: {  	s3 =	sld [smem:$0x3FB2]  }
0x31: {  	[smem:$0x3FBB] =	sst s10  }
0x32: {  	s10 =	sld [smem:$0x3FB9];
	_ =	sdelay $0x3  }
0x33: {  	p0 =	seq.s32 s10, $0x1;
	s10 =	sld [smem:$0x3FBB];
	_ =	sdelay $0x3  }
0x34: {  	[smem:$0x3FBB] =	sst s10  }
0x35: {  	s10 =	sld [smem:$0x3FBA];
	_ =	sdelay $0x3  }
0x36: {  	p1 =	seq.s32 s10, $0x1;
	s10 =	sld [smem:$0x3FBB];
	_ =	sdelay $0x3  }
0x37: {  	[smem:$0x3FBB] =	sst s10  }
0x38: {  	s10 =	sld [smem:$0x3FBC]  }
0x39: {  	_ = 	snop;
	(pc) =	sbr.ind lr, $3  }
0x3a: {  	_ = 	snop  }
0x3b: {  	_ = 	snop  }
0x3c: {  	p2 =	seq.s32 s10, $0x1;
	s10 =	sld [smem:$0x3FBB]  }
0x3d: {  	_ =	shalt  }
0x3e: {  	_ =	shalt  }
0x3f: {  	_ =	shalt  }
0x40: {  	_ =	shalt  }
0x41: {  	_ =	shalt  }
0x42: {  	_ =	shalt  }
0x43: {  	_ =	shalt  }
0x44: {  	_ =	shalt  }
0x45: {  	_ =	shalt  }
0x46: {  	_ =	shalt  }
0x47: {  	_ =	shalt  }
0x48: {  	_ =	shalt  }
0x49: {  	_ =	shalt  }
0x4a: {  	_ =	shalt  }
0x4b: {  	_ =	shalt  }
0x4c: {  	_ =	shalt  }
0x4d: {  	_ =	shalt  }
0x4e: {  	_ =	shalt  }
0x4f: {  	_ =	shalt  }
0x50: {  	_ =	shalt  }
0x51: {  	_ =	shalt  }
0x52: {  	_ =	shalt  }
0x53: {  	_ =	shalt  }
0x54: {  	_ =	shalt  }
0x55: {  	_ =	shalt  }
0x56: {  	_ =	shalt  }
0x57: {  	_ =	shalt  }
0x58: {  	_ =	shalt  }
0x59: {  	_ =	shalt  }
0x5a: {  	_ =	shalt  }
0x5b: {  	_ =	shalt  }
0x5c: {  	_ =	shalt  }
0x5d: {  	_ =	shalt  }
0x5e: {  	_ =	shalt  }
0x5f: {  	_ =	shalt  }
0x60: {  	_ =	shalt  }
0x61: {  	_ =	shalt  }
0x62: {  	_ =	shalt  }
0x63: {  	_ =	shalt  }
0x64: {  	_ =	shalt  }
0x65: {  	_ =	shalt  }
0x66: {  	_ =	shalt  }
0x67: {  	_ =	shalt  }
0x68: {  	_ =	shalt  }
0x69: {  	_ =	shalt  }
0x6a: {  	_ =	shalt  }
0x6b: {  	_ =	shalt  }
0x6c: {  	_ =	shalt  }
0x6d: {  	_ =	shalt  }
0x6e: {  	_ =	shalt  }
0x6f: {  	_ =	shalt  }
0x70: {  	_ =	shalt  }
0x71: {  	_ =	shalt  }
0x72: {  	_ =	shalt  }
0x73: {  	_ =	shalt  }
0x74: {  	_ =	shalt  }
0x75: {  	_ =	shalt  }
0x76: {  	_ =	shalt  }
0x77: {  	_ =	shalt  }
0x78: {  	_ =	shalt  }
0x79: {  	_ =	shalt  }
0x7a: {  	_ =	shalt  }
0x7b: {  	_ =	shalt  }
0x7c: {  	_ =	shalt  }
0x7d: {  	_ =	shalt  }
0x7e: {  	_ =	shalt  }
0x7f: {  	_ =	shalt  }
0x80: {  	_ =	shalt  }
0x81: {  	_ =	shalt  }
0x82: {  	_ =	shalt  }
0x83: {  	_ =	shalt  }
0x84: {  	_ =	shalt  }
0x85: {  	_ =	shalt  }
0x86: {  	_ =	shalt  }
0x87: {  	_ =	shalt  }
.Lfunc_end0:
.L_simem_size_0:
called_computation_lowered:
.L_overlay_start_0:
0x88: {  	s2 =	sld [smem:$0x3FD9]  }
0x89: {  	s3 =	sld [smem:$0x3FFE];
	_ =	sdelay $0x1  }
0x8a: {  	s1 =	srdreg.scid  }
0x8b: {  	s0 =	sand.u32 $0x1, s1  }
0x8c: {  	s18 =	sshll.u32 s0, $0xA;
	s2 =	sadd.s32 s3, s2  }
0x8d: {  	s2 =	sadd.s32 s2, s18  }
0x8e: {  	[smem:$0x3FC7] =	sst s2  }
0x8f: {  	_ = 	snop  }
0x90: {  	s2 =	sld [smem:$0x3FC9]  }
0x91: {  	s19 =	sld [smem:$0x3FD0];
	(tm) =	ssettm $0x1  }
0x92: {  	s4 =	sld [smem:$0x3FFB];
	_ =	sdelay $0x3  }
0x93: {  	_ =	strace s4  }
0x94: {  	s4 =	sld [smem:$0x3FFC];
	_ =	sdelay $0x3  }
0x95: {  	_ =	strace s4  }
0x96: {  	s4 =	sld [smem:$0x3FFD];
	_ =	sdelay $0x3  }
0x97: {  	_ =	strace s4  }
0x98: {  	_ =	strace $0x8FFFFFFF  }
0x99: {  	s20 =	sld [smem:$0x3FDB];
	_ =	sdelay $0x1  }
0x9a: {  	s5 =	simm.s32 $_scs_section_size  }
0x9b: {  	s6 =	simm.s32 $_size__tile_overlayer_lowered;
	s7 =	simm.s32 $_tile_overlayer_lowered  }
0x9c: {  	s23 =	simm.s32 $0x1BFF;
	s22 =	sshll.u32 s7, $0x1;
	s4 =	sadd.s32 s5, s20  }
0x9d: {  	s8 =	simm.s32 $0x0;
	s21 =	sshll.u32 s6, $0x1;
	s6 =	sadd.s32 s22, s4  }
0x9e: {  	[timem:s8], [sflag:s23] =	dma.local [hbm:s6], s21  }
0x9f: {  	_ =	swait.ge [sflag:s23], s21  }
0xa0: {  	s5 =	ssub.s32 $0x0, s21;
	[sflag:s23] =	ssyncset.done $0x0  }
0xa1: {  	[sflag:s23] =	ssyncadd.s32 s5;
	_ =	sdelay $0x1  }
0xa2: {  	s24 =	simm.s32 $0x1B8B  }
0xa3: {  	_ =	swait.ge [sflag:s24], $0x1  }
0xa4: {  	[sflag:s24] =	ssyncset.done $0x0  }
0xa5: {  	s25 =	simm.s32 $0x1B8E;
	[sflag:s24] =	ssyncadd.s32 $0xFFFFFFFF  }
0xa6: {  	s26 =	simm.s32 $execute0_lowered;
	[smem:$0x3FD2] =	sst s25  }
0xa7: {  	s5 =	sshll.u32 s26, $0x1;
	_ =	strace $0x80000046;
	[dreg:$0x1] =	wrdreg $0xFFFFFFFF  }
0xa8: {  	s28 =	simm.s32 $_size_execute0_lowered;
	s4 =	sadd.s32 s4, s5;
	[dreg:$0x0] =	wrdreg $0x0  }
0xa9: {  	s5 =	sshll.u32 s28, $0x1;
	[dreg:$0x2] =	wrdreg s4  }
0xaa: {  	[dreg:$0x3] =	wrdreg s5  }
0xab: {  	[dreg:$0x4] =	wrdreg $0xC0  }
0xac: {  	_ =	task [dreg:s8], $0x5FFFF  }
0xad: {  	[dreg:$0x1] =	wrdreg $0xFFFFFFFF  }
0xae: {  	[dreg:$0x0] =	wrdreg $0x60  }
0xaf: {  	[dreg:$0x2] =	wrdreg s2  }
0xb0: {  	[dreg:$0x3] =	wrdreg s19  }
0xb1: {  	[dreg:$0x4] =	wrdreg $0x9  }
0xb2: {  	_ =	task.clear_ibuf [dreg:s8], $0x5FFFF;
	_ =	strace $0x90000046  }
0xb3: {  	s29 =	simm.s32 $0x9;
	_ =	strace $0x80000048  }
0xb4: {  	_ =	swait.ge [sflag:s29], $0x1  }
0xb5: {  	[sflag:s29] =	ssyncadd.s32 $0xFFFFFFFF  }
0xb6: {  	_ =	strace $0x90000048  }
0xb7: {  	_ =	sfence  }
0xb8: {  	s30 =	sld [smem:$0x0];
	_ =	sdelay $0x2  }
0xb9: {  	s31 =	sshll.u32 s1, $0xD;
	s1 =	sshrl.u32 s1, $0x2  }
0xba: {  	s3 =	sand.u32 $0x4000, s31;
	s1 =	sadd.s32 s1, s30  }
0xbb: {  	s0 =	sor.u32 s3, s0;
	s1 =	sshll.u32 s1, $0x11  }
0xbc: {  	s0 =	sor.u32 s1, s0  }
0xbd: {  	s0 =	sadd.s32 $0x8F2B, s0  }
0xbe: {  	[sflag:s0] =	ssyncadd.remote.s32 $0x1  }
0xbf: {  	_ =	sfence.sel $0xFFFF  }
0xc0: {  	[dreg:$0x0] =	wrdreg $0xFFFFFFFF;
	(pc) =	sbr.abs _section_cstart, $3  }
0xc1: {  	[dreg:$0x1] =	wrdreg $0xFFFFFFFF  }
0xc2: {  	_ =	task.clear_ibuf [dreg:s8], $0x2FFFF;
	_ =	strace $0x9FFFFFFF  }
0xc3: {  	(tm) =	ssettm $0x7FFFFFFF  }
tec
execute0_lowered:
.L_overlay_start_1:
0x0: {  	(tag) =	ssettag $0x1  }
0x1: {  	s0 =	rddreg [dreg:$0x0]  }
0x2: {  	s3 =	rddreg [dreg:$0x1];
	s4 =	srdreg.scid;
	s2 =	simm.s32 $0x0  }
0x3: {  	s1 =	stileid.u32;
	s18 =	simm.s32 $0x1;
	p0 =	por $0x0, $0x0  }
0x4: {  	s30 =	simm.s32 $0x2;
	s4 =	sand.u32 $0x1, s4;
	s6 =	sshll.u32 s1, $0xF  }
0x5: {  	[smem:$0x7FF] =	sst s2;
	s5 =	ssub.s32 $0x2, s4;
	s4 =	sshll.u32 s4, $0xE  }
0x6: {  	_ =	strace $0x80000047;
	s7 =	sshrl.u32 s5, $0x1;
	s4 =	sor.u32 s4, s6  }
0x7: {  	s5 =	ssub.s32 s5, s7;
	s6 =	sadd.s32 s0, s4;
	s20 =	sor.u32 $0x1000, s4  }
0x8: {  	s21 =	sor.u32 $0x2000, s4;
	s22 =	sadd.s32 s3, s4;
	s4 =	sor.u32 $0x3000, s4  }
0x9: {  	[dreg:$0x3] =	wrdreg s6;
	s28 =	sadd.s32 s0, s20;
	s29 =	sadd.s32 s0, s21  }
0xa: {  	s23 =	sadd.s32 $0x80000, s22;
	s24 =	sadd.s32 $0x100000, s22;
	s25 =	sadd.s32 $0x180000, s22  }
0xb: {  	s19 =	sadd.s32 s0, s4;
	s14 =	sadd.s32 s3, s20;
	s15 =	sadd.s32 $0x81000, s22  }
0xc: {  	s16 =	sadd.s32 $0x101000, s22;
	s17 =	sadd.s32 $0x181000, s22;
	s26 =	smax.u32 s5, $0x1  }
0xd: {  	s10 =	sadd.s32 s3, s21;
	s11 =	sadd.s32 $0x82000, s22;
	p1 =	sne.s32 s26, $0x1  }
.Ltmp0:
0xe: {  	s12 =	sadd.s32 $0x102000, s22;
	s13 =	sadd.s32 $0x182000, s22;
	(pc) =	sbr.rel @!p1 .LBB2_3-.Ltmp0, $4  }
0xf: {  	s6 =	sadd.s32 s3, s4;
	s7 =	sadd.s32 $0x83000, s22;
	s8 =	sadd.s32 $0x103000, s22  }
0x10: {  	s9 =	sadd.s32 $0x183000, s22;
	s21 =	simm.s32 $0x8000;
	s20 =	simm.s32 $0x10000  }
0x11: {  	s3 =	simm.s32 $0x4;
	s5 =	simm.s32 $0x5;
	s4 =	simm.s32 $0x6  }
0x12: {  	s31 =	sadd.s32 $0xFFFFFFFF, s26;
	s26 =	simm.s32 $0x3;
	s0 =	rddreg [dreg:$0x3]  }
0x13: {  	[tilespmem:s2], [sflag:$0x1] =	stream.linear.gather [hbm4b:s0+s2], $0x8000, $0x38;
	[tilespmem:$0x18000] =	vst v63  }
0x14: {  	_ = 	snop  }
0x15: {  	[tilespmem:s21], [sflag:$0x2] =	stream.linear.gather [hbm4b:s28+s2], $0x8000, $0x38;
	[tilespmem:$0x18000] =	vst v63  }
0x16: {  	_ = 	snop  }
0x17: {  	[tilespmem:s20], [sflag:$0x3] =	stream.linear.gather [hbm4b:s29+s2], $0x8000, $0x38;
	[tilespmem:$0x18000] =	vst v63  }
0x18: {  	_ =	swait.ge [sflag:s18], $0x8000  }
0x19: {  	[sflag:s18] =	ssyncset.done $0x0  }
0x1a: {  	[sflag:s18] =	ssyncadd.s32 $0xFFFF8000  }
0x1b: {  	[hbm4b:s22+s2] =	stream.linear.scatter [tilespmem:s2], [sflag:$0x4], $0x8000, $0x38;
	[tilespmem:$0x18000] =	vst v63  }
0x1c: {  	_ = 	snop  }
0x1d: {  	[hbm4b:s23+s2] =	stream.linear.scatter [tilespmem:s2], [sflag:$0x4], $0x8000, $0x38;
	[tilespmem:$0x18000] =	vst v63  }
0x1e: {  	_ = 	snop  }
0x1f: {  	[hbm4b:s24+s2] =	stream.linear.scatter [tilespmem:s2], [sflag:$0x4], $0x8000, $0x38;
	[tilespmem:$0x18000] =	vst v63  }
0x20: {  	_ = 	snop  }
0x21: {  	[hbm4b:s25+s2] =	stream.linear.scatter [tilespmem:s2], [sflag:$0x4], $0x8000, $0x38;
	[tilespmem:$0x18000] =	vst v63  }
0x22: {  	_ =	swait.ge [sflag:s3], $0x8000  }
0x23: {  	[sflag:s3] =	ssyncset.done $0x0  }
0x24: {  	[sflag:s3] =	ssyncadd.s32 $0xFFFF8000  }
0x25: {  	_ =	swait.ge [sflag:s3], $0x8000  }
0x26: {  	[sflag:s3] =	ssyncset.done $0x0  }
0x27: {  	[sflag:s3] =	ssyncadd.s32 $0xFFFF8000  }
0x28: {  	_ =	swait.ge [sflag:s3], $0x8000  }
0x29: {  	[sflag:s3] =	ssyncset.done $0x0  }
0x2a: {  	[sflag:s3] =	ssyncadd.s32 $0xFFFF8000  }
0x2b: {  	_ =	swait.ge [sflag:s3], $0x8000  }
0x2c: {  	[sflag:s3] =	ssyncset.done $0x0  }
0x2d: {  	[sflag:s3] =	ssyncadd.s32 $0xFFFF8000  }
0x2e: {  	[tilespmem:s2], [sflag:$0x1] =	stream.linear.gather [hbm4b:s19+s2], $0x8000, $0x38;
	[tilespmem:$0x18000] =	vst v63  }
0x2f: {  	_ =	swait.ge [sflag:s30], $0x8000  }
0x30: {  	[sflag:s30] =	ssyncset.done $0x0  }
0x31: {  	[sflag:s30] =	ssyncadd.s32 $0xFFFF8000  }
0x32: {  	[hbm4b:s14+s2] =	stream.linear.scatter [tilespmem:s21], [sflag:$0x5], $0x8000, $0x38;
	[tilespmem:$0x18000] =	vst v63  }
0x33: {  	_ = 	snop  }
0x34: {  	[hbm4b:s15+s2] =	stream.linear.scatter [tilespmem:s21], [sflag:$0x5], $0x8000, $0x38;
	[tilespmem:$0x18000] =	vst v63  }
0x35: {  	_ = 	snop  }
0x36: {  	[hbm4b:s16+s2] =	stream.linear.scatter [tilespmem:s21], [sflag:$0x5], $0x8000, $0x38;
	[tilespmem:$0x18000] =	vst v63  }
0x37: {  	_ = 	snop  }
0x38: {  	[hbm4b:s17+s2] =	stream.linear.scatter [tilespmem:s21], [sflag:$0x5], $0x8000, $0x38;
	[tilespmem:$0x18000] =	vst v63  }
0x39: {  	_ =	swait.ge [sflag:s26], $0x8000  }
0x3a: {  	[sflag:s26] =	ssyncset.done $0x0  }
0x3b: {  	[sflag:s26] =	ssyncadd.s32 $0xFFFF8000  }
0x3c: {  	[hbm4b:s10+s2] =	stream.linear.scatter [tilespmem:s20], [sflag:$0x6], $0x8000, $0x38;
	[tilespmem:$0x18000] =	vst v63  }
0x3d: {  	_ = 	snop  }
0x3e: {  	[hbm4b:s11+s2] =	stream.linear.scatter [tilespmem:s20], [sflag:$0x6], $0x8000, $0x38;
	[tilespmem:$0x18000] =	vst v63  }
0x3f: {  	_ = 	snop  }
0x40: {  	[hbm4b:s12+s2] =	stream.linear.scatter [tilespmem:s20], [sflag:$0x6], $0x8000, $0x38;
	[tilespmem:$0x18000] =	vst v63  }
0x41: {  	_ = 	snop  }
0x42: {  	[hbm4b:s13+s2] =	stream.linear.scatter [tilespmem:s20], [sflag:$0x6], $0x8000, $0x38;
	[tilespmem:$0x18000] =	vst v63  }
0x43: {  	_ =	swait.ge [sflag:s18], $0x8000  }
0x44: {  	[sflag:s18] =	ssyncset.done $0x0  }
0x45: {  	[sflag:s18] =	ssyncadd.s32 $0xFFFF8000  }
0x46: {  	[hbm4b:s6+s2] =	stream.linear.scatter [tilespmem:s2], [sflag:$0x4], $0x8000, $0x38;
	[tilespmem:$0x18000] =	vst v63  }
0x47: {  	_ = 	snop  }
0x48: {  	[hbm4b:s7+s2] =	stream.linear.scatter [tilespmem:s2], [sflag:$0x4], $0x8000, $0x38;
	[tilespmem:$0x18000] =	vst v63  }
0x49: {  	_ = 	snop  }
0x4a: {  	[hbm4b:s8+s2] =	stream.linear.scatter [tilespmem:s2], [sflag:$0x4], $0x8000, $0x38;
	[tilespmem:$0x18000] =	vst v63  }
0x4b: {  	_ = 	snop  }
0x4c: {  	[hbm4b:s9+s2] =	stream.linear.scatter [tilespmem:s2], [sflag:$0x4], $0x8000, $0x38;
	[tilespmem:$0x18000] =	vst v63  }
0x4d: {  	_ =	swait.ge [sflag:s5], $0x8000  }
0x4e: {  	[sflag:s5] =	ssyncset.done $0x0  }
0x4f: {  	[sflag:s5] =	ssyncadd.s32 $0xFFFF8000  }
0x50: {  	_ =	swait.ge [sflag:s5], $0x8000  }
0x51: {  	[sflag:s5] =	ssyncset.done $0x0  }
0x52: {  	[sflag:s5] =	ssyncadd.s32 $0xFFFF8000  }
0x53: {  	_ =	swait.ge [sflag:s5], $0x8000  }
0x54: {  	[sflag:s5] =	ssyncset.done $0x0  }
0x55: {  	[sflag:s5] =	ssyncadd.s32 $0xFFFF8000  }
0x56: {  	_ =	swait.ge [sflag:s5], $0x8000  }
0x57: {  	[sflag:s5] =	ssyncset.done $0x0  }
0x58: {  	[sflag:s5] =	ssyncadd.s32 $0xFFFF8000  }
0x59: {  	_ =	swait.ge [sflag:s4], $0x8000  }
0x5a: {  	[sflag:s4] =	ssyncset.done $0x0  }
0x5b: {  	[sflag:s4] =	ssyncadd.s32 $0xFFFF8000  }
0x5c: {  	_ =	swait.ge [sflag:s4], $0x8000  }
0x5d: {  	[sflag:s4] =	ssyncset.done $0x0  }
0x5e: {  	[sflag:s4] =	ssyncadd.s32 $0xFFFF8000  }
0x5f: {  	_ =	swait.ge [sflag:s4], $0x8000  }
0x60: {  	[sflag:s4] =	ssyncset.done $0x0  }
0x61: {  	[sflag:s4] =	ssyncadd.s32 $0xFFFF8000  }
0x62: {  	_ =	swait.ge [sflag:s4], $0x8000  }
0x63: {  	[sflag:s4] =	ssyncset.done $0x0  }
0x64: {  	[sflag:s4] =	ssyncadd.s32 $0xFFFF8000  }
0x65: {  	_ =	swait.ge [sflag:s3], $0x8000  }
0x66: {  	[sflag:s3] =	ssyncset.done $0x0  }
0x67: {  	[sflag:s3] =	ssyncadd.s32 $0xFFFF8000  }
0x68: {  	_ =	swait.ge [sflag:s3], $0x8000  }
0x69: {  	[sflag:s3] =	ssyncset.done $0x0  }
0x6a: {  	p1 =	sne.s32 s31, $0x1;
	[sflag:s3] =	ssyncadd.s32 $0xFFFF8000  }
.Ltmp1:
0x6b: {  	_ =	swait.ge [sflag:s3], $0x8000;
	(pc) =	sbr.rel @!p1 .LBB2_3-.Ltmp1, $4  }
0x6c: {  	[sflag:s3] =	ssyncset.done $0x0  }
0x6d: {  	[sflag:s3] =	ssyncadd.s32 $0xFFFF8000  }
0x6e: {  	s31 =	sadd.s32 $0xFFFFFFFF, s31;
	_ =	swait.ge [sflag:s3], $0x8000  }
0x6f: {  	p0 =	por $0x1, $0x1;
	s0 =	rddreg [dreg:$0x3];
	[sflag:s3] =	ssyncset.done $0x0  }
.LBB2_2:
0x70: {  	[sflag:s3] =	ssyncadd.s32 $0xFFFF8000  }
0x71: {  	[tilespmem:s2], [sflag:$0x1] =	stream.linear.gather [hbm4b:s0+s2], $0x8000, $0x38;
	[tilespmem:$0x18000] =	vst v63  }
0x72: {  	_ = 	snop  }
0x73: {  	[tilespmem:s21], [sflag:$0x2] =	stream.linear.gather [hbm4b:s28+s2], $0x8000, $0x38;
	[tilespmem:$0x18000] =	vst v63  }
0x74: {  	_ = 	snop  }
0x75: {  	[tilespmem:s20], [sflag:$0x3] =	stream.linear.gather [hbm4b:s29+s2], $0x8000, $0x38;
	[tilespmem:$0x18000] =	vst v63  }
0x76: {  	_ =	swait.ge [sflag:s18], $0x8000  }
0x77: {  	[sflag:s18] =	ssyncset.done $0x0  }
0x78: {  	[sflag:s18] =	ssyncadd.s32 $0xFFFF8000  }
0x79: {  	[hbm4b:s22+s2] =	stream.linear.scatter [tilespmem:s2], [sflag:$0x4], $0x8000, $0x38;
	[tilespmem:$0x18000] =	vst v63  }
0x7a: {  	_ = 	snop  }
0x7b: {  	[hbm4b:s23+s2] =	stream.linear.scatter [tilespmem:s2], [sflag:$0x4], $0x8000, $0x38;
	[tilespmem:$0x18000] =	vst v63  }
0x7c: {  	_ = 	snop  }
0x7d: {  	[hbm4b:s24+s2] =	stream.linear.scatter [tilespmem:s2], [sflag:$0x4], $0x8000, $0x38;
	[tilespmem:$0x18000] =	vst v63  }
0x7e: {  	_ = 	snop  }
0x7f: {  	[hbm4b:s25+s2] =	stream.linear.scatter [tilespmem:s2], [sflag:$0x4], $0x8000, $0x38;
	[tilespmem:$0x18000] =	vst v63  }
0x80: {  	_ =	swait.ge [sflag:s3], $0x8000  }
0x81: {  	[sflag:s3] =	ssyncset.done $0x0  }
0x82: {  	[sflag:s3] =	ssyncadd.s32 $0xFFFF8000  }
0x83: {  	_ =	swait.ge [sflag:s3], $0x8000  }
0x84: {  	[sflag:s3] =	ssyncset.done $0x0  }
0x85: {  	[sflag:s3] =	ssyncadd.s32 $0xFFFF8000  }
0x86: {  	_ =	swait.ge [sflag:s3], $0x8000  }
0x87: {  	[sflag:s3] =	ssyncset.done $0x0  }
0x88: {  	[sflag:s3] =	ssyncadd.s32 $0xFFFF8000  }
0x89: {  	_ =	swait.ge [sflag:s3], $0x8000  }
0x8a: {  	[sflag:s3] =	ssyncset.done $0x0  }
0x8b: {  	[sflag:s3] =	ssyncadd.s32 $0xFFFF8000  }
0x8c: {  	[tilespmem:s2], [sflag:$0x1] =	stream.linear.gather [hbm4b:s19+s2], $0x8000, $0x38;
	[tilespmem:$0x18000] =	vst v63  }
0x8d: {  	_ =	swait.ge [sflag:s30], $0x8000  }
0x8e: {  	[sflag:s30] =	ssyncset.done $0x0  }
0x8f: {  	[sflag:s30] =	ssyncadd.s32 $0xFFFF8000  }
0x90: {  	[hbm4b:s14+s2] =	stream.linear.scatter [tilespmem:s21], [sflag:$0x5], $0x8000, $0x38;
	[tilespmem:$0x18000] =	vst v63  }
0x91: {  	_ = 	snop  }
0x92: {  	[hbm4b:s15+s2] =	stream.linear.scatter [tilespmem:s21], [sflag:$0x5], $0x8000, $0x38;
	[tilespmem:$0x18000] =	vst v63  }
0x93: {  	_ = 	snop  }
0x94: {  	[hbm4b:s16+s2] =	stream.linear.scatter [tilespmem:s21], [sflag:$0x5], $0x8000, $0x38;
	[tilespmem:$0x18000] =	vst v63  }
0x95: {  	_ = 	snop  }
0x96: {  	[hbm4b:s17+s2] =	stream.linear.scatter [tilespmem:s21], [sflag:$0x5], $0x8000, $0x38;
	[tilespmem:$0x18000] =	vst v63  }
0x97: {  	_ =	swait.ge [sflag:s26], $0x8000  }
0x98: {  	[sflag:s26] =	ssyncset.done $0x0  }
0x99: {  	[sflag:s26] =	ssyncadd.s32 $0xFFFF8000  }
0x9a: {  	[hbm4b:s10+s2] =	stream.linear.scatter [tilespmem:s20], [sflag:$0x6], $0x8000, $0x38;
	[tilespmem:$0x18000] =	vst v63  }
0x9b: {  	_ = 	snop  }
0x9c: {  	[hbm4b:s11+s2] =	stream.linear.scatter [tilespmem:s20], [sflag:$0x6], $0x8000, $0x38;
	[tilespmem:$0x18000] =	vst v63  }
0x9d: {  	_ = 	snop  }
0x9e: {  	[hbm4b:s12+s2] =	stream.linear.scatter [tilespmem:s20], [sflag:$0x6], $0x8000, $0x38;
	[tilespmem:$0x18000] =	vst v63  }
0x9f: {  	_ = 	snop  }
0xa0: {  	[hbm4b:s13+s2] =	stream.linear.scatter [tilespmem:s20], [sflag:$0x6], $0x8000, $0x38;
	[tilespmem:$0x18000] =	vst v63  }
0xa1: {  	_ =	swait.ge [sflag:s18], $0x8000  }
0xa2: {  	[sflag:s18] =	ssyncset.done $0x0  }
0xa3: {  	[sflag:s18] =	ssyncadd.s32 $0xFFFF8000  }
0xa4: {  	[hbm4b:s6+s2] =	stream.linear.scatter [tilespmem:s2], [sflag:$0x4], $0x8000, $0x38;
	[tilespmem:$0x18000] =	vst v63  }
0xa5: {  	_ = 	snop  }
0xa6: {  	[hbm4b:s7+s2] =	stream.linear.scatter [tilespmem:s2], [sflag:$0x4], $0x8000, $0x38;
	[tilespmem:$0x18000] =	vst v63  }
0xa7: {  	_ = 	snop  }
0xa8: {  	[hbm4b:s8+s2] =	stream.linear.scatter [tilespmem:s2], [sflag:$0x4], $0x8000, $0x38;
	[tilespmem:$0x18000] =	vst v63  }
0xa9: {  	_ = 	snop  }
0xaa: {  	[hbm4b:s9+s2] =	stream.linear.scatter [tilespmem:s2], [sflag:$0x4], $0x8000, $0x38;
	[tilespmem:$0x18000] =	vst v63  }
0xab: {  	_ =	swait.ge [sflag:s5], $0x8000  }
0xac: {  	[sflag:s5] =	ssyncset.done $0x0  }
0xad: {  	[sflag:s5] =	ssyncadd.s32 $0xFFFF8000  }
0xae: {  	_ =	swait.ge [sflag:s5], $0x8000  }
0xaf: {  	[sflag:s5] =	ssyncset.done $0x0  }
0xb0: {  	[sflag:s5] =	ssyncadd.s32 $0xFFFF8000  }
0xb1: {  	_ =	swait.ge [sflag:s5], $0x8000  }
0xb2: {  	[sflag:s5] =	ssyncset.done $0x0  }
0xb3: {  	[sflag:s5] =	ssyncadd.s32 $0xFFFF8000  }
0xb4: {  	_ =	swait.ge [sflag:s5], $0x8000  }
0xb5: {  	[sflag:s5] =	ssyncset.done $0x0  }
0xb6: {  	[sflag:s5] =	ssyncadd.s32 $0xFFFF8000  }
0xb7: {  	_ =	swait.ge [sflag:s4], $0x8000  }
0xb8: {  	[sflag:s4] =	ssyncset.done $0x0  }
0xb9: {  	[sflag:s4] =	ssyncadd.s32 $0xFFFF8000  }
0xba: {  	_ =	swait.ge [sflag:s4], $0x8000  }
0xbb: {  	[sflag:s4] =	ssyncset.done $0x0  }
0xbc: {  	[sflag:s4] =	ssyncadd.s32 $0xFFFF8000  }
0xbd: {  	_ =	swait.ge [sflag:s4], $0x8000  }
0xbe: {  	[sflag:s4] =	ssyncset.done $0x0  }
0xbf: {  	[sflag:s4] =	ssyncadd.s32 $0xFFFF8000  }
0xc0: {  	_ =	swait.ge [sflag:s4], $0x8000  }
0xc1: {  	[sflag:s4] =	ssyncset.done $0x0  }
0xc2: {  	[sflag:s4] =	ssyncadd.s32 $0xFFFF8000  }
0xc3: {  	_ =	swait.ge [sflag:s3], $0x8000  }
0xc4: {  	[sflag:s3] =	ssyncset.done $0x0  }
0xc5: {  	[sflag:s3] =	ssyncadd.s32 $0xFFFF8000  }
0xc6: {  	_ =	swait.ge [sflag:s3], $0x8000  }
0xc7: {  	[sflag:s3] =	ssyncset.done $0x0  }
0xc8: {  	p1 =	sne.s32 s31, $0x1;
	[sflag:s3] =	ssyncadd.s32 $0xFFFF8000  }
.Ltmp2:
0xc9: {  	_ =	swait.ge [sflag:s3], $0x8000;
	(pc) =	sbr.rel @p1 .LBB2_2-.Ltmp2, $4  }
0xca: {  	[sflag:s3] =	ssyncset.done $0x0  }
0xcb: {  	[sflag:s3] =	ssyncadd.s32 $0xFFFF8000  }
0xcc: {  	_ =	swait.ge [sflag:s3], $0x8000  }
0xcd: {  	s31 =	sadd.s32 $0xFFFFFFFF, s31;
	s0 =	rddreg [dreg:$0x3];
	[sflag:s3] =	ssyncset.done $0x0  }
.LBB2_3:
0xce: {  	[sflag:s3] =	ssyncadd.s32 @p0 $0xFFFF8000  }
0xcf: {  	[tilespmem:s2], [sflag:$0x1] =	stream.linear.gather [hbm4b:s0+s2], $0x8000, $0x38;
	[tilespmem:$0x18000] =	vst v63  }
0xd0: {  	_ = 	snop  }
0xd1: {  	[tilespmem:s21], [sflag:$0x2] =	stream.linear.gather [hbm4b:s28+s2], $0x8000, $0x38;
	[tilespmem:$0x18000] =	vst v63  }
0xd2: {  	_ = 	snop  }
0xd3: {  	[tilespmem:s20], [sflag:$0x3] =	stream.linear.gather [hbm4b:s29+s2], $0x8000, $0x38;
	[tilespmem:$0x18000] =	vst v63  }
0xd4: {  	_ =	swait.ge [sflag:s18], $0x8000  }
0xd5: {  	[sflag:s18] =	ssyncset.done $0x0  }
0xd6: {  	[sflag:s18] =	ssyncadd.s32 $0xFFFF8000  }
0xd7: {  	[hbm4b:s22+s2] =	stream.linear.scatter [tilespmem:s2], [sflag:$0x4], $0x8000, $0x38;
	[tilespmem:$0x18000] =	vst v63  }
0xd8: {  	_ = 	snop  }
0xd9: {  	[hbm4b:s23+s2] =	stream.linear.scatter [tilespmem:s2], [sflag:$0x4], $0x8000, $0x38;
	[tilespmem:$0x18000] =	vst v63  }
0xda: {  	_ = 	snop  }
0xdb: {  	[hbm4b:s24+s2] =	stream.linear.scatter [tilespmem:s2], [sflag:$0x4], $0x8000, $0x38;
	[tilespmem:$0x18000] =	vst v63  }
0xdc: {  	_ = 	snop  }
0xdd: {  	[hbm4b:s25+s2] =	stream.linear.scatter [tilespmem:s2], [sflag:$0x4], $0x8000, $0x38;
	[tilespmem:$0x18000] =	vst v63  }
0xde: {  	_ =	swait.ge [sflag:s3], $0x8000  }
0xdf: {  	[sflag:s3] =	ssyncset.done $0x0  }
0xe0: {  	[sflag:s3] =	ssyncadd.s32 $0xFFFF8000  }
0xe1: {  	_ =	swait.ge [sflag:s3], $0x8000  }
0xe2: {  	[sflag:s3] =	ssyncset.done $0x0  }
0xe3: {  	[sflag:s3] =	ssyncadd.s32 $0xFFFF8000  }
0xe4: {  	_ =	swait.ge [sflag:s3], $0x8000  }
0xe5: {  	[sflag:s3] =	ssyncset.done $0x0  }
0xe6: {  	[sflag:s3] =	ssyncadd.s32 $0xFFFF8000  }
0xe7: {  	_ =	swait.ge [sflag:s3], $0x8000  }
0xe8: {  	[sflag:s3] =	ssyncset.done $0x0  }
0xe9: {  	[sflag:s3] =	ssyncadd.s32 $0xFFFF8000  }
0xea: {  	[tilespmem:s2], [sflag:$0x1] =	stream.linear.gather [hbm4b:s19+s2], $0x8000, $0x38;
	[tilespmem:$0x18000] =	vst v63  }
0xeb: {  	_ =	swait.ge [sflag:s30], $0x8000  }
0xec: {  	[sflag:s30] =	ssyncset.done $0x0  }
0xed: {  	[sflag:s30] =	ssyncadd.s32 $0xFFFF8000  }
0xee: {  	[hbm4b:s14+s2] =	stream.linear.scatter [tilespmem:s21], [sflag:$0x5], $0x8000, $0x38;
	[tilespmem:$0x18000] =	vst v63  }
0xef: {  	_ = 	snop  }
0xf0: {  	[hbm4b:s15+s2] =	stream.linear.scatter [tilespmem:s21], [sflag:$0x5], $0x8000, $0x38;
	[tilespmem:$0x18000] =	vst v63  }
0xf1: {  	_ = 	snop  }
0xf2: {  	[hbm4b:s16+s2] =	stream.linear.scatter [tilespmem:s21], [sflag:$0x5], $0x8000, $0x38;
	[tilespmem:$0x18000] =	vst v63  }
0xf3: {  	_ = 	snop  }
0xf4: {  	[hbm4b:s17+s2] =	stream.linear.scatter [tilespmem:s21], [sflag:$0x5], $0x8000, $0x38;
	[tilespmem:$0x18000] =	vst v63  }
0xf5: {  	_ =	swait.ge [sflag:s26], $0x8000  }
0xf6: {  	[sflag:s26] =	ssyncset.done $0x0  }
0xf7: {  	[sflag:s26] =	ssyncadd.s32 $0xFFFF8000  }
0xf8: {  	[hbm4b:s10+s2] =	stream.linear.scatter [tilespmem:s20], [sflag:$0x6], $0x8000, $0x38;
	[tilespmem:$0x18000] =	vst v63  }
0xf9: {  	_ = 	snop  }
0xfa: {  	[hbm4b:s11+s2] =	stream.linear.scatter [tilespmem:s20], [sflag:$0x6], $0x8000, $0x38;
	[tilespmem:$0x18000] =	vst v63  }
0xfb: {  	_ = 	snop  }
0xfc: {  	[hbm4b:s12+s2] =	stream.linear.scatter [tilespmem:s20], [sflag:$0x6], $0x8000, $0x38;
	[tilespmem:$0x18000] =	vst v63  }
0xfd: {  	_ = 	snop  }
0xfe: {  	[hbm4b:s13+s2] =	stream.linear.scatter [tilespmem:s20], [sflag:$0x6], $0x8000, $0x38;
	[tilespmem:$0x18000] =	vst v63  }
0xff: {  	_ =	swait.ge [sflag:s18], $0x8000  }
0x100: {  	[sflag:s18] =	ssyncset.done $0x0  }
0x101: {  	[sflag:s18] =	ssyncadd.s32 $0xFFFF8000  }
0x102: {  	[hbm4b:s6+s2] =	stream.linear.scatter [tilespmem:s2], [sflag:$0x4], $0x8000, $0x38;
	[tilespmem:$0x18000] =	vst v63  }
0x103: {  	_ = 	snop  }
0x104: {  	[hbm4b:s7+s2] =	stream.linear.scatter [tilespmem:s2], [sflag:$0x4], $0x8000, $0x38;
	[tilespmem:$0x18000] =	vst v63  }
0x105: {  	_ = 	snop  }
0x106: {  	[hbm4b:s8+s2] =	stream.linear.scatter [tilespmem:s2], [sflag:$0x4], $0x8000, $0x38;
	[tilespmem:$0x18000] =	vst v63  }
0x107: {  	_ = 	snop  }
0x108: {  	[hbm4b:s9+s2] =	stream.linear.scatter [tilespmem:s2], [sflag:$0x4], $0x8000, $0x38;
	[tilespmem:$0x18000] =	vst v63  }
0x109: {  	_ =	swait.ge [sflag:s5], $0x8000  }
0x10a: {  	[sflag:s5] =	ssyncset.done $0x0  }
0x10b: {  	[sflag:s5] =	ssyncadd.s32 $0xFFFF8000  }
0x10c: {  	_ =	swait.ge [sflag:s5], $0x8000  }
0x10d: {  	[sflag:s5] =	ssyncset.done $0x0  }
0x10e: {  	[sflag:s5] =	ssyncadd.s32 $0xFFFF8000  }
0x10f: {  	_ =	swait.ge [sflag:s5], $0x8000  }
0x110: {  	[sflag:s5] =	ssyncset.done $0x0  }
0x111: {  	[sflag:s5] =	ssyncadd.s32 $0xFFFF8000  }
0x112: {  	_ =	swait.ge [sflag:s5], $0x8000  }
0x113: {  	[sflag:s5] =	ssyncset.done $0x0  }
0x114: {  	[sflag:s5] =	ssyncadd.s32 $0xFFFF8000  }
0x115: {  	_ =	swait.ge [sflag:s4], $0x8000  }
0x116: {  	[sflag:s4] =	ssyncset.done $0x0  }
0x117: {  	[sflag:s4] =	ssyncadd.s32 $0xFFFF8000  }
0x118: {  	_ =	swait.ge [sflag:s4], $0x8000  }
0x119: {  	[sflag:s4] =	ssyncset.done $0x0  }
0x11a: {  	[sflag:s4] =	ssyncadd.s32 $0xFFFF8000  }
0x11b: {  	_ =	swait.ge [sflag:s4], $0x8000  }
0x11c: {  	[sflag:s4] =	ssyncset.done $0x0  }
0x11d: {  	[sflag:s4] =	ssyncadd.s32 $0xFFFF8000  }
0x11e: {  	_ =	swait.ge [sflag:s4], $0x8000  }
0x11f: {  	[sflag:s4] =	ssyncset.done $0x0  }
0x120: {  	[sflag:s4] =	ssyncadd.s32 $0xFFFF8000  }
0x121: {  	_ =	swait.ge [sflag:s3], $0x8000  }
0x122: {  	[sflag:s3] =	ssyncset.done $0x0  }
0x123: {  	[sflag:s3] =	ssyncadd.s32 $0xFFFF8000  }
0x124: {  	_ =	swait.ge [sflag:s3], $0x8000  }
0x125: {  	[sflag:s3] =	ssyncset.done $0x0  }
0x126: {  	[sflag:s3] =	ssyncadd.s32 $0xFFFF8000  }
0x127: {  	_ =	swait.ge [sflag:s3], $0x8000  }
0x128: {  	[sflag:s3] =	ssyncset.done $0x0  }
0x129: {  	[sflag:s3] =	ssyncadd.s32 $0xFFFF8000  }
0x12a: {  	_ =	swait.ge [sflag:s3], $0x8000  }
0x12b: {  	[sflag:s3] =	ssyncset.done $0x0  }
0x12c: {  	[sflag:s3] =	ssyncadd.s32 $0xFFFF8000  }
0x12d: {  	_ =	sfence.sel $0x180000  }
0x12e: {  	[bflag:$0x0] =	sbarrier.arrive $0xFFFF  }
0x12f: {  	_ =	strace $0x90000047  }
0x130: {  	[bflag:$0x2] =	sbarrier.arrive $0xFFFF  }
0x131: {  	p0 =	sne.s32 s1, $0x0;
	s0 =	rddreg [dreg:$0x2]  }
0x132: {  	s0 =	sadd.s32 @!p0 $0x100000, s0  }
0x133: {  	[sflag:s0] =	ssyncadd.tile.s32 @!p0 $0x1;
	_ =	shalt  }
.Lfunc_end2:
_tile_overlayer_lowered:
.L_overlay_start_2:
0x134: {  	(tag) =	ssettag $0x2  }
0x135: {  	s0 =	rddreg [dreg:$0x0];
	s2 =	stileid.u32  }
0x136: {  	s1 =	rddreg [dreg:$0x1];
	p0 =	sne.s32 s2, $0x0  }
0x137: {  	s3 =	rddreg [dreg:$0x2];
	[bflag:$0x3] =	sbarrier.arrive $0xFFFF;
	s2 =	simm.s32 @!p0 $0x1C07  }
0x138: {  	[timem:s3], [sflag:s2] =	dma.local @!p0 [hbm:s0], s1  }
0x139: {  	s0 =	simm.s32 @!p0 $0x7  }
0x13a: {  	_ =	swait.ge @!p0 [sflag:s0], s1  }
0x13b: {  	s1 =	ssub.s32 @!p0 $0x0, s1;
	[sflag:s0] =	ssyncset.done @!p0 $0x0  }
0x13c: {  	[sflag:s0] =	ssyncadd.s32 @!p0 s1  }
0x13d: {  	[bflag:$0x3] =	sbarrier.arrive $0xFFFF  }
0x13e: {  	_ =	shalt  }

</sc_bundles>
